<compile_context>
chip_gen: v7x
topology: tpu7x:2x2x1
jax: 0.10.2.dev20260603
libtpu: 0.0.44.dev20260713+nightly
codegen_flags: <defaults>
</compile_context>

<pallas_src>
import functools

import jax
import jax.numpy as jnp
from jax import lax
from jax.experimental import pallas as pl
from jax.experimental.pallas import tpu as pltpu
from jax.experimental.pallas import tpu_sc as plsc

N_NODES = 10000
N_EDGES = 320000
D_FEAT = 128
NDEG = 6
NUM_GRAPHS = 64

NC, NS = 2, 16
NW = NC * NS
EPW = N_EDGES // NW
CHUNKA = 80
NCHUNKA = EPW // CHUNKA
NPAD = 10112
RPT = NPAD // NS

BLK = 1000


def _sc_agg_body(table, srcdst4, z128, out, sdidx, rows, acc, sem):
    cid = lax.axis_index("c")
    sid = lax.axis_index("s")
    wid = cid * NS + sid
    r0 = sid * RPT

    pltpu.sync_copy(z128.at[pl.ds(r0, RPT)], acc.at[pl.ds(r0, RPT)])
    pltpu.sync_copy(srcdst4.at[wid], sdidx)
    plsc.subcore_barrier()

    @pl.loop(0, NCHUNKA)
    def _edge_chunk(j):
        pltpu.async_copy(table.at[sdidx.at[0, j]], rows, sem).wait()
        pltpu.sync_copy(rows, acc.at[sdidx.at[1, j]], add=True)

    plsc.subcore_barrier()
    pltpu.sync_copy(acc.at[pl.ds(r0, RPT)], out.at[cid, pl.ds(r0, RPT)])


def _sc_agg1_body(table, srcdst4, z128, ones128, out, degout,
                  sdidx, rows, acc, sem):
    cid = lax.axis_index("c")
    sid = lax.axis_index("s")
    wid = cid * NS + sid
    r0 = sid * RPT

    pltpu.sync_copy(z128.at[pl.ds(r0, RPT)], acc.at[pl.ds(r0, RPT)])
    pltpu.sync_copy(srcdst4.at[wid], sdidx)
    pltpu.sync_copy(ones128, rows)
    plsc.subcore_barrier()

    @pl.loop(0, NCHUNKA)
    def _deg_chunk(j):
        pltpu.sync_copy(rows, acc.at[sdidx.at[1, j]], add=True)

    plsc.subcore_barrier()
    pltpu.sync_copy(acc.at[pl.ds(r0, RPT)], degout.at[cid, pl.ds(r0, RPT)])
    pltpu.sync_copy(z128.at[pl.ds(r0, RPT)], acc.at[pl.ds(r0, RPT)])
    plsc.subcore_barrier()

    @pl.loop(0, NCHUNKA)
    def _edge_chunk(j):
        pltpu.async_copy(table.at[sdidx.at[0, j]], rows, sem).wait()
        pltpu.sync_copy(rows, acc.at[sdidx.at[1, j]], add=True)

    plsc.subcore_barrier()
    pltpu.sync_copy(acc.at[pl.ds(r0, RPT)], out.at[cid, pl.ds(r0, RPT)])


def _sc_mesh():
    return plsc.VectorSubcoreMesh(core_axis_name="c", subcore_axis_name="s",
                                  num_cores=NC, num_subcores=NS)


def _sc_aggregate(table, srcdst4, z128):
    f32 = jnp.float32
    fn = pl.kernel(
        _sc_agg_body,
        out_type=jax.ShapeDtypeStruct((NC, NPAD, D_FEAT), f32),
        mesh=_sc_mesh(),
        scratch_types=[
            pltpu.VMEM((2, NCHUNKA, CHUNKA), jnp.int32),
            pltpu.VMEM((CHUNKA, D_FEAT), f32),
            pltpu.VMEM_SHARED((NPAD, D_FEAT), f32),
            pltpu.SemaphoreType.DMA,
        ])
    return fn(table, srcdst4, z128)


def _sc_agg1(table, srcdst4, z128, ones128):
    f32 = jnp.float32
    fn = pl.kernel(
        _sc_agg1_body,
        out_type=(jax.ShapeDtypeStruct((NC, NPAD, D_FEAT), f32),
                  jax.ShapeDtypeStruct((NC, NPAD, D_FEAT), f32)),
        mesh=_sc_mesh(),
        scratch_types=[
            pltpu.VMEM((2, NCHUNKA, CHUNKA), jnp.int32),
            pltpu.VMEM((CHUNKA, D_FEAT), f32),
            pltpu.VMEM_SHARED((NPAD, D_FEAT), f32),
            pltpu.SemaphoreType.DMA,
        ])
    return fn(table, srcdst4, z128, ones128)


def _mf_body(agg_ref, x_ref, dcnt_ref, wl_ref, wr_ref, b_ref, out_ref):
    h = agg_ref[0] + agg_ref[1]
    r = jnp.dot(h, wl_ref[...], preferred_element_type=jnp.float32)
    r = r + jnp.dot(x_ref[...], wr_ref[...], preferred_element_type=jnp.float32)
    r = r + b_ref[...]
    deg = jnp.minimum(dcnt_ref[0, :, 0:1] + dcnt_ref[1, :, 0:1], float(NDEG - 1))
    out = r[:, 0:D_FEAT]
    for d in range(1, NDEG):
        out = jnp.where(deg == float(d), r[:, d * D_FEAT:(d + 1) * D_FEAT], out)
    out_ref[...] = out


def _mf2_body(agg_ref, x_ref, dcnt_ref, wl_ref, wr_ref, b_ref, batch_ref,
              out_ref, pool_ref):
    h = agg_ref[0] + agg_ref[1]
    r = jnp.dot(h, wl_ref[...], preferred_element_type=jnp.float32)
    r = r + jnp.dot(x_ref[...], wr_ref[...], preferred_element_type=jnp.float32)
    r = r + b_ref[...]
    deg = jnp.minimum(dcnt_ref[0, :, 0:1] + dcnt_ref[1, :, 0:1], float(NDEG - 1))
    out = r[:, 0:D_FEAT]
    for d in range(1, NDEG):
        out = jnp.where(deg == float(d), r[:, d * D_FEAT:(d + 1) * D_FEAT], out)
    out_ref[...] = out

    @pl.when(pl.program_id(0) == 0)
    def _():
        pool_ref[...] = jnp.zeros_like(pool_ref)

    onehot = (batch_ref[...] ==
              lax.broadcasted_iota(jnp.int32, (BLK, NUM_GRAPHS), 1)
              ).astype(jnp.float32)
    pool_ref[...] += lax.dot_general(
        onehot, out, (((0,), (0,)), ((), ())),
        preferred_element_type=jnp.float32,
        precision=lax.Precision.HIGHEST)


def _fin_body(h1_ref, h2_ref, batch_ref, pool_ref, wf_ref, bf_ref, out_ref):
    onehot = (batch_ref[...] ==
              lax.broadcasted_iota(jnp.int32, (BLK, NUM_GRAPHS), 1)
              ).astype(jnp.float32)
    rep = jnp.dot(onehot, pool_ref[...], preferred_element_type=jnp.float32,
                  precision=lax.Precision.HIGHEST)
    logits = jnp.dot(h1_ref[...], wf_ref[0:D_FEAT, :],
                     preferred_element_type=jnp.float32)
    logits += jnp.dot(h2_ref[...], wf_ref[D_FEAT:2 * D_FEAT, :],
                      preferred_element_type=jnp.float32)
    logits += jnp.dot(rep, wf_ref[2 * D_FEAT:3 * D_FEAT, :],
                      preferred_element_type=jnp.float32)
    logits += bf_ref[...]
    m = jnp.max(logits, axis=1, keepdims=True)
    e = jnp.exp(logits - m)
    out_ref[...] = e / jnp.sum(e, axis=1, keepdims=True)


def _mfconv_tc(agg, x, dcnt, wcat_l, wcat_r, bcat, batch2d=None):
    grid = (N_NODES // BLK,)
    f32 = jnp.float32
    common_in = [
        pl.BlockSpec((NC, BLK, D_FEAT), lambda i: (0, i, 0)),
        pl.BlockSpec((BLK, D_FEAT), lambda i: (i, 0)),
        pl.BlockSpec((NC, BLK, D_FEAT), lambda i: (0, i, 0)),
        pl.BlockSpec((D_FEAT, NDEG * D_FEAT), lambda i: (0, 0)),
        pl.BlockSpec((D_FEAT, NDEG * D_FEAT), lambda i: (0, 0)),
        pl.BlockSpec((1, NDEG * D_FEAT), lambda i: (0, 0)),
    ]
    if batch2d is None:
        return pl.pallas_call(
            _mf_body,
            grid=grid,
            in_specs=common_in,
            out_specs=pl.BlockSpec((BLK, D_FEAT), lambda i: (i, 0)),
            out_shape=jax.ShapeDtypeStruct((N_NODES, D_FEAT), f32),
        )(agg, x, dcnt, wcat_l, wcat_r, bcat)
    return pl.pallas_call(
        _mf2_body,
        grid=grid,
        in_specs=common_in + [pl.BlockSpec((BLK, 1), lambda i: (i, 0))],
        out_specs=[
            pl.BlockSpec((BLK, D_FEAT), lambda i: (i, 0)),
            pl.BlockSpec((NUM_GRAPHS, D_FEAT), lambda i: (0, 0)),
        ],
        out_shape=[
            jax.ShapeDtypeStruct((N_NODES, D_FEAT), f32),
            jax.ShapeDtypeStruct((NUM_GRAPHS, D_FEAT), f32),
        ],
    )(agg, x, dcnt, wcat_l, wcat_r, bcat, batch2d)


def _final_tc(h1, h2, batch2d, pool, wf, bf2d):
    grid = (N_NODES // BLK,)
    ncls = wf.shape[1]
    return pl.pallas_call(
        _fin_body,
        grid=grid,
        in_specs=[
            pl.BlockSpec((BLK, D_FEAT), lambda i: (i, 0)),
            pl.BlockSpec((BLK, D_FEAT), lambda i: (i, 0)),
            pl.BlockSpec((BLK, 1), lambda i: (i, 0)),
            pl.BlockSpec((NUM_GRAPHS, D_FEAT), lambda i: (0, 0)),
            pl.BlockSpec(wf.shape, lambda i: (0, 0)),
            pl.BlockSpec((1, ncls), lambda i: (0, 0)),
        ],
        out_specs=pl.BlockSpec((BLK, ncls), lambda i: (i, 0)),
        out_shape=jax.ShapeDtypeStruct((N_NODES, ncls), jnp.float32),
    )(h1, h2, batch2d, pool, wf, bf2d)


def _wcat(w):
    return jnp.transpose(w, (1, 0, 2)).reshape(w.shape[1], NDEG * w.shape[2])


def kernel(x, edge_index, batch, W1_l, b1_l, W1_r, W2_l, b2_l, W2_r, Wf, bf):
    f32 = jnp.float32
    srcdst4 = jnp.stack([edge_index[0].reshape(NW, NCHUNKA, CHUNKA),
                         edge_index[1].reshape(NW, NCHUNKA, CHUNKA)], axis=1)
    z128 = jnp.zeros((NPAD, D_FEAT), f32)
    ones128 = jnp.zeros((CHUNKA, D_FEAT), f32).at[:, 0].set(1.0)
    batch2d = batch.reshape(N_NODES, 1)

    agg1, dcnt = _sc_agg1(x, srcdst4, z128, ones128)
    h1 = _mfconv_tc(agg1, x, dcnt, _wcat(W1_l), _wcat(W1_r),
                    b1_l.reshape(1, -1))
    agg2 = _sc_aggregate(h1, srcdst4, z128)
    h2, pool = _mfconv_tc(agg2, h1, dcnt, _wcat(W2_l), _wcat(W2_r),
                          b2_l.reshape(1, -1), batch2d)
    return _final_tc(h1, h2, batch2d, pool, Wf, bf.reshape(1, -1))

# --- scband reference (transcript-rebuilt; emitter-appended) ---
"""Pipeline reference for scband-mf-19164144074976 (READ-ONLY COPY).

The authoritative reference and input builder live on the scoring server;
editing this copy changes nothing except your own understanding.
"""

import jax, jax.numpy as jnp
import numpy as np

N_NODES = 10000
N_EDGES = 320000
D_FEAT = 128
SIZE_CONV = [128, 128]
MAX_DEGREE = 5
NUM_GRAPHS = 64
NUM_CLASSES = 2


def setup_inputs(seed: int = 0) -> dict:
    key = jax.random.key(seed)
    ks = jax.random.split(key, 12)
    x = jax.random.normal(ks[0], (N_NODES, D_FEAT), dtype=jnp.float32)
    edge_index = jax.random.randint(ks[1], (2, N_EDGES), 0, N_NODES, dtype=jnp.int32)
    batch = jnp.sort(jax.random.randint(ks[2], (N_NODES,), 0, NUM_GRAPHS, dtype=jnp.int32))
    inp = {"x": x, "edge_index": edge_index, "batch": batch}
    c_in = D_FEAT
    for li, c_out in enumerate(SIZE_CONV):
        s = 1.0 / np.sqrt(c_in)
        inp[f"W{li+1}_l"] = jax.random.normal(ks[3 + 3 * li], (MAX_DEGREE + 1, c_in, c_out), dtype=jnp.float32) * s
        inp[f"b{li+1}_l"] = jnp.zeros((MAX_DEGREE + 1, c_out), dtype=jnp.float32)
        inp[f"W{li+1}_r"] = jax.random.normal(ks[4 + 3 * li], (MAX_DEGREE + 1, c_in, c_out), dtype=jnp.float32) * s
        c_in = c_out
    fin_in = sum(SIZE_CONV) + SIZE_CONV[-1]
    inp["Wf"] = jax.random.normal(ks[10], (fin_in, NUM_CLASSES), dtype=jnp.float32) * (1.0 / np.sqrt(fin_in))
    inp["bf"] = jnp.zeros((NUM_CLASSES,), dtype=jnp.float32)
    return inp


def _mfconv(x, edge_index, Wl, bl, Wr):
    # Faithful MFConv: h_i = sum_{j in N(i)} x_j; out_i = W_l[deg_i] h_i + b_l[deg_i] + W_r[deg_i] x_i
    src, dst = edge_index[0], edge_index[1]
    n = x.shape[0]
    deg = jnp.clip(jnp.bincount(dst, length=n), 0, MAX_DEGREE)
    h = jax.ops.segment_sum(jnp.take(x, src, axis=0), dst, num_segments=n)
    out = jnp.zeros((n, Wl.shape[2]), dtype=x.dtype)
    for i in range(MAX_DEGREE + 1):
        r = h @ Wl[i] + bl[i] + x @ Wr[i]
        out = jnp.where((deg == i)[:, None], r, out)
    return out


def reference(x, edge_index, batch, W1_l, b1_l, W1_r, W2_l, b2_l, W2_r, Wf, bf):
    hs = []
    h = x
    for (Wl, bl, Wr) in ((W1_l, b1_l, W1_r), (W2_l, b2_l, W2_r)):
        h = _mfconv(h, edge_index, Wl, bl, Wr)
        hs.append(h)
    # global_add_pool
    h_pool = jax.ops.segment_sum(h, batch, num_segments=NUM_GRAPHS)
    counts = jnp.bincount(batch, length=NUM_GRAPHS)
    h_pool_rep = jnp.repeat(h_pool, counts, axis=0, total_repeat_length=x.shape[0])
    hcat = jnp.concatenate(hs + [h_pool_rep], axis=1)
    logits = hcat @ Wf + bf
    return jax.nn.softmax(logits, axis=1)

if __name__ == "__main__":
    import jax
    _d = setup_inputs()
    print(jax.jit(kernel)(*tuple(_d.values())))

</pallas_src>

<mosaic_0001>
#map = affine_map<(d0, d1) -> (0, 0)>
#map1 = affine_map<(d0, d1) -> (0, 0, 0, 0)>
#map2 = affine_map<(d0, d1) -> (0, 0, 0)>
module attributes {stable_mosaic.version = 14 : i64} {
  func.func @_sc_agg_body(%arg0: i32, %arg1: i32, %arg2: memref<10000x128xf32, #tpu.memory_space<hbm>>, %arg3: memref<32x2x125x80xi32, #tpu.memory_space<hbm>>, %arg4: memref<10112x128xf32, #tpu.memory_space<hbm>>, %arg5: memref<2x10112x128xf32, #tpu.memory_space<hbm>>, %arg6: memref<2x125x80xi32, #tpu.memory_space<vmem>>, %arg7: memref<80x128xf32, #tpu.memory_space<vmem>>, %arg8: memref<10112x128xf32, #tpu.memory_space<vmem_shared>>, %arg9: memref<!tpu.dma_semaphore, #tpu.memory_space<semaphore_mem>>) attributes {dimension_semantics = [#tpu.dimension_semantics<core_parallel>, #tpu.dimension_semantics<subcore_parallel>], iteration_bounds = array<i64: 2, 16>, scalar_prefetch = 0 : i64, scratch_operands = 4 : i64, tpu.core_type = #tpu.core_type<sc_vector_subcore>, window_params = [{transform_indices = #map}, {transform_indices = #map1}, {transform_indices = #map}, {transform_indices = #map2}]} {
    %mul3A = arith.constant 16 : i32
    %mul3A_0 = arith.muli %arg0, %mul3A : i32
    %add3A = arith.addi %mul3A_0, %arg1 : i32
    %mul3A_1 = arith.constant 632 : i32
    %mul3A_2 = arith.muli %arg1, %mul3A_1 : i32
    "tpu.region"() ({
      %run_scoped3A = tpu.sem_alloc : memref<!tpu.dma_semaphore, #tpu.memory_space<semaphore_mem>>
      %dma_start3A = arith.constant 0 : i32
      %dma_start3A_8 = tpu.memref_slice %arg8[%mul3A_2, %dma_start3A] : memref<10112x128xf32, #tpu.memory_space<vmem_shared>> -> memref<632x128xf32, #tpu.memory_space<vmem_shared>>
      %dma_start3A_9 = arith.constant 0 : i32
      %dma_start3A_10 = tpu.memref_slice %arg4[%mul3A_2, %dma_start3A_9] : memref<10112x128xf32, #tpu.memory_space<hbm>> -> memref<632x128xf32, #tpu.memory_space<hbm>>
      tpu.enqueue_dma source(%dma_start3A_10 : memref<632x128xf32, #tpu.memory_space<hbm>>) target(%dma_start3A_8 : memref<632x128xf32, #tpu.memory_space<vmem_shared>>) target_semaphore(%run_scoped3A : memref<!tpu.dma_semaphore, #tpu.memory_space<semaphore_mem>>)
      %dma_wait3A = arith.constant 0 : i32
      %dma_wait3A_11 = tpu.memref_slice %arg8[%mul3A_2, %dma_wait3A] : memref<10112x128xf32, #tpu.memory_space<vmem_shared>> -> memref<632x128xf32, #tpu.memory_space<vmem_shared>>
      %dma_wait3A_12 = arith.constant 0 : i32
      %dma_wait3A_13 = tpu.memref_slice %arg4[%mul3A_2, %dma_wait3A_12] : memref<10112x128xf32, #tpu.memory_space<hbm>> -> memref<632x128xf32, #tpu.memory_space<hbm>>
      tpu.wait_dma2 semaphore(%run_scoped3A : memref<!tpu.dma_semaphore, #tpu.memory_space<semaphore_mem>>) src(%dma_wait3A_13 : memref<632x128xf32, #tpu.memory_space<hbm>>) dst(%dma_wait3A_11 : memref<632x128xf32, #tpu.memory_space<vmem_shared>>)
      tpu.yield
    }) : () -> ()
    "tpu.region"() ({
      %run_scoped3A = tpu.sem_alloc : memref<!tpu.dma_semaphore, #tpu.memory_space<semaphore_mem>>
      %dma_start3A = arith.constant 0 : i32
      %dma_start3A_8 = arith.constant 0 : i32
      %dma_start3A_9 = arith.constant 0 : i32
      %dma_start3A_10 = tpu.memref_slice %arg3[%add3A, %dma_start3A, %dma_start3A_8, %dma_start3A_9] : memref<32x2x125x80xi32, #tpu.memory_space<hbm>> -> memref<1x2x125x80xi32, #tpu.memory_space<hbm>>
      %dma_start3A_11 = tpu.memref_squeeze %dma_start3A_10 : memref<1x2x125x80xi32, #tpu.memory_space<hbm>> -> memref<2x125x80xi32, #tpu.memory_space<hbm>>
      %dma_start3A_12 = arith.constant 0 : i32
      %dma_start3A_13 = arith.constant 0 : i32
      %dma_start3A_14 = arith.constant 0 : i32
      %dma_start3A_15 = tpu.memref_slice %arg3[%add3A, %dma_start3A_12, %dma_start3A_13, %dma_start3A_14] : memref<32x2x125x80xi32, #tpu.memory_space<hbm>> -> memref<1x2x125x80xi32, #tpu.memory_space<hbm>>
      %dma_start3A_16 = tpu.memref_squeeze %dma_start3A_15 : memref<1x2x125x80xi32, #tpu.memory_space<hbm>> -> memref<2x125x80xi32, #tpu.memory_space<hbm>>
      tpu.enqueue_dma source(%dma_start3A_16 : memref<2x125x80xi32, #tpu.memory_space<hbm>>) target(%arg6 : memref<2x125x80xi32, #tpu.memory_space<vmem>>) target_semaphore(%run_scoped3A : memref<!tpu.dma_semaphore, #tpu.memory_space<semaphore_mem>>)
      %dma_wait3A = arith.constant 0 : i32
      %dma_wait3A_17 = arith.constant 0 : i32
      %dma_wait3A_18 = arith.constant 0 : i32
      %dma_wait3A_19 = tpu.memref_slice %arg3[%add3A, %dma_wait3A, %dma_wait3A_17, %dma_wait3A_18] : memref<32x2x125x80xi32, #tpu.memory_space<hbm>> -> memref<1x2x125x80xi32, #tpu.memory_space<hbm>>
      %dma_wait3A_20 = tpu.memref_squeeze %dma_wait3A_19 : memref<1x2x125x80xi32, #tpu.memory_space<hbm>> -> memref<2x125x80xi32, #tpu.memory_space<hbm>>
      %dma_wait3A_21 = arith.constant 0 : i32
      %dma_wait3A_22 = arith.constant 0 : i32
      %dma_wait3A_23 = arith.constant 0 : i32
      %dma_wait3A_24 = tpu.memref_slice %arg3[%add3A, %dma_wait3A_21, %dma_wait3A_22, %dma_wait3A_23] : memref<32x2x125x80xi32, #tpu.memory_space<hbm>> -> memref<1x2x125x80xi32, #tpu.memory_space<hbm>>
      %dma_wait3A_25 = tpu.memref_squeeze %dma_wait3A_24 : memref<1x2x125x80xi32, #tpu.memory_space<hbm>> -> memref<2x125x80xi32, #tpu.memory_space<hbm>>
      tpu.wait_dma2 semaphore(%run_scoped3A : memref<!tpu.dma_semaphore, #tpu.memory_space<semaphore_mem>>) src(%dma_wait3A_25 : memref<2x125x80xi32, #tpu.memory_space<hbm>>) dst(%arg6 : memref<2x125x80xi32, #tpu.memory_space<vmem>>)
      tpu.yield
    }) : () -> ()
    %barrier3A = arith.constant 0 : index
    tpu.barrier barrier_id(%barrier3A)
    %scan3A = arith.constant 0 : i32
    %scan3A_3 = arith.constant 125 : i32
    %scan3A_4 = arith.addi %scan3A, %scan3A_3 : i32
    %scan3A_5 = arith.constant 1 : i32
    scf.for %scan3A_8 = %scan3A to %scan3A_4 step %scan3A_5  : i32 {
      %mul3A_9 = arith.constant 1 : i32
      %mul3A_10 = arith.muli %scan3A_8, %mul3A_9 : i32
      %add3A_11 = arith.constant 0 : i32
      %add3A_12 = arith.addi %add3A_11, %mul3A_10 : i32
      %dma_start3A = arith.constant 0 : i32
      %dma_start3A_13 = arith.constant 0 : i32
      %dma_start3A_14 = tpu.memref_slice %arg6[%dma_start3A, %add3A_12, %dma_start3A_13] : memref<2x125x80xi32, #tpu.memory_space<vmem>> -> memref<1x1x80xi32, #tpu.memory_space<vmem>>
      %dma_start3A_15 = tpu.memref_squeeze %dma_start3A_14 : memref<1x1x80xi32, #tpu.memory_space<vmem>> -> memref<80xi32, #tpu.memory_space<vmem>>
      %dma_start3A_16 = arith.constant 0 : i32
      %dma_start3A_17 = arith.constant 0 : i32
      %dma_start3A_18 = tpu.memref_slice %arg2[%dma_start3A_16, %dma_start3A_17] : memref<10000x128xf32, #tpu.memory_space<hbm>> -> memref<10000x128xf32, #tpu.memory_space<hbm>>
      tpu.enqueue_indirect_dma source(%dma_start3A_18 : memref<10000x128xf32, #tpu.memory_space<hbm>>) target(%arg7 : memref<80x128xf32, #tpu.memory_space<vmem>>) offsets(%dma_start3A_15 : memref<80xi32, #tpu.memory_space<vmem>>) semaphore(%arg9 : memref<!tpu.dma_semaphore, #tpu.memory_space<semaphore_mem>>)
      %dma_wait3A = arith.constant 0 : i32
      %dma_wait3A_19 = arith.constant 0 : i32
      %dma_wait3A_20 = tpu.memref_slice %arg6[%dma_wait3A, %add3A_12, %dma_wait3A_19] : memref<2x125x80xi32, #tpu.memory_space<vmem>> -> memref<1x1x80xi32, #tpu.memory_space<vmem>>
      %dma_wait3A_21 = tpu.memref_squeeze %dma_wait3A_20 : memref<1x1x80xi32, #tpu.memory_space<vmem>> -> memref<80xi32, #tpu.memory_space<vmem>>
      %dma_wait3A_22 = arith.constant 0 : i32
      %dma_wait3A_23 = arith.constant 0 : i32
      %dma_wait3A_24 = tpu.memref_slice %arg2[%dma_wait3A_22, %dma_wait3A_23] : memref<10000x128xf32, #tpu.memory_space<hbm>> -> memref<10000x128xf32, #tpu.memory_space<hbm>>
      tpu.wait_indirect_dma semaphore(%arg9 : memref<!tpu.dma_semaphore, #tpu.memory_space<semaphore_mem>>) src(%dma_wait3A_24 : memref<10000x128xf32, #tpu.memory_space<hbm>>) dst(%arg7 : memref<80x128xf32, #tpu.memory_space<vmem>>)
      %run_scoped3A = arith.constant 1 : i32
      "tpu.region"() ({
        %run_scoped3A_25 = tpu.sem_alloc : memref<!tpu.dma_semaphore, #tpu.memory_space<semaphore_mem>>
        %dma_start3A_26 = arith.constant 0 : i32
        %dma_start3A_27 = tpu.memref_slice %arg6[%run_scoped3A, %add3A_12, %dma_start3A_26] : memref<2x125x80xi32, #tpu.memory_space<vmem>> -> memref<1x1x80xi32, #tpu.memory_space<vmem>>
        %dma_start3A_28 = tpu.memref_squeeze %dma_start3A_27 : memref<1x1x80xi32, #tpu.memory_space<vmem>> -> memref<80xi32, #tpu.memory_space<vmem>>
        %dma_start3A_29 = arith.constant 0 : i32
        %dma_start3A_30 = arith.constant 0 : i32
        %dma_start3A_31 = tpu.memref_slice %arg8[%dma_start3A_29, %dma_start3A_30] : memref<10112x128xf32, #tpu.memory_space<vmem_shared>> -> memref<10112x128xf32, #tpu.memory_space<vmem_shared>>
        tpu.enqueue_indirect_dma source(%arg7 : memref<80x128xf32, #tpu.memory_space<vmem>>) target(%dma_start3A_31 : memref<10112x128xf32, #tpu.memory_space<vmem_shared>>) offsets(%dma_start3A_28 : memref<80xi32, #tpu.memory_space<vmem>>) semaphore(%run_scoped3A_25 : memref<!tpu.dma_semaphore, #tpu.memory_space<semaphore_mem>>) {add = true}
        %dma_wait3A_32 = arith.constant 0 : i32
        %dma_wait3A_33 = tpu.memref_slice %arg6[%run_scoped3A, %add3A_12, %dma_wait3A_32] : memref<2x125x80xi32, #tpu.memory_space<vmem>> -> memref<1x1x80xi32, #tpu.memory_space<vmem>>
        %dma_wait3A_34 = tpu.memref_squeeze %dma_wait3A_33 : memref<1x1x80xi32, #tpu.memory_space<vmem>> -> memref<80xi32, #tpu.memory_space<vmem>>
        %dma_wait3A_35 = arith.constant 0 : i32
        %dma_wait3A_36 = arith.constant 0 : i32
        %dma_wait3A_37 = tpu.memref_slice %arg8[%dma_wait3A_35, %dma_wait3A_36] : memref<10112x128xf32, #tpu.memory_space<vmem_shared>> -> memref<10112x128xf32, #tpu.memory_space<vmem_shared>>
        tpu.wait_indirect_dma semaphore(%run_scoped3A_25 : memref<!tpu.dma_semaphore, #tpu.memory_space<semaphore_mem>>) src(%arg7 : memref<80x128xf32, #tpu.memory_space<vmem>>) dst(%dma_wait3A_37 : memref<10112x128xf32, #tpu.memory_space<vmem_shared>>)
        tpu.yield
      }) : () -> ()
    }
    %scan3A_6 = arith.constant 125 : i32
    %barrier3A_7 = arith.constant 0 : index
    tpu.barrier barrier_id(%barrier3A_7)
    "tpu.region"() ({
      %run_scoped3A = tpu.sem_alloc : memref<!tpu.dma_semaphore, #tpu.memory_space<semaphore_mem>>
      %dma_start3A = arith.constant 0 : i32
      %dma_start3A_8 = tpu.memref_slice %arg5[%arg0, %mul3A_2, %dma_start3A] : memref<2x10112x128xf32, #tpu.memory_space<hbm>> -> memref<1x632x128xf32, #tpu.memory_space<hbm>>
      %dma_start3A_9 = tpu.memref_squeeze %dma_start3A_8 : memref<1x632x128xf32, #tpu.memory_space<hbm>> -> memref<632x128xf32, #tpu.memory_space<hbm>>
      %dma_start3A_10 = arith.constant 0 : i32
      %dma_start3A_11 = tpu.memref_slice %arg8[%mul3A_2, %dma_start3A_10] : memref<10112x128xf32, #tpu.memory_space<vmem_shared>> -> memref<632x128xf32, #tpu.memory_space<vmem_shared>>
      tpu.enqueue_dma source(%dma_start3A_11 : memref<632x128xf32, #tpu.memory_space<vmem_shared>>) target(%dma_start3A_9 : memref<632x128xf32, #tpu.memory_space<hbm>>) target_semaphore(%run_scoped3A : memref<!tpu.dma_semaphore, #tpu.memory_space<semaphore_mem>>)
      %dma_wait3A = arith.constant 0 : i32
      %dma_wait3A_12 = tpu.memref_slice %arg5[%arg0, %mul3A_2, %dma_wait3A] : memref<2x10112x128xf32, #tpu.memory_space<hbm>> -> memref<1x632x128xf32, #tpu.memory_space<hbm>>
      %dma_wait3A_13 = tpu.memref_squeeze %dma_wait3A_12 : memref<1x632x128xf32, #tpu.memory_space<hbm>> -> memref<632x128xf32, #tpu.memory_space<hbm>>
      %dma_wait3A_14 = arith.constant 0 : i32
      %dma_wait3A_15 = tpu.memref_slice %arg8[%mul3A_2, %dma_wait3A_14] : memref<10112x128xf32, #tpu.memory_space<vmem_shared>> -> memref<632x128xf32, #tpu.memory_space<vmem_shared>>
      tpu.wait_dma2 semaphore(%run_scoped3A : memref<!tpu.dma_semaphore, #tpu.memory_space<semaphore_mem>>) src(%dma_wait3A_15 : memref<632x128xf32, #tpu.memory_space<vmem_shared>>) dst(%dma_wait3A_13 : memref<632x128xf32, #tpu.memory_space<hbm>>)
      tpu.yield
    }) : () -> ()
    return
  }
}

#map = affine_map<(d0, d1) -> (0, 0)>
#map1 = affine_map<(d0, d1) -> (0, 0, 0, 0)>
#map2 = affine_map<(d0, d1) -> (0, 0, 0)>
module attributes {stable_mosaic.version = 14 : i64} {
  func.func @_sc_agg1_body(%arg0: i32, %arg1: i32, %arg2: memref<10000x128xf32, #tpu.memory_space<hbm>>, %arg3: memref<32x2x125x80xi32, #tpu.memory_space<hbm>>, %arg4: memref<10112x128xf32, #tpu.memory_space<hbm>>, %arg5: memref<80x128xf32, #tpu.memory_space<hbm>>, %arg6: memref<2x10112x128xf32, #tpu.memory_space<hbm>>, %arg7: memref<2x10112x128xf32, #tpu.memory_space<hbm>>, %arg8: memref<2x125x80xi32, #tpu.memory_space<vmem>>, %arg9: memref<80x128xf32, #tpu.memory_space<vmem>>, %arg10: memref<10112x128xf32, #tpu.memory_space<vmem_shared>>, %arg11: memref<!tpu.dma_semaphore, #tpu.memory_space<semaphore_mem>>) attributes {dimension_semantics = [#tpu.dimension_semantics<core_parallel>, #tpu.dimension_semantics<subcore_parallel>], iteration_bounds = array<i64: 2, 16>, scalar_prefetch = 0 : i64, scratch_operands = 4 : i64, tpu.core_type = #tpu.core_type<sc_vector_subcore>, window_params = [{transform_indices = #map}, {transform_indices = #map1}, {transform_indices = #map}, {transform_indices = #map}, {transform_indices = #map2}, {transform_indices = #map2}]} {
    %mul3A = arith.constant 16 : i32
    %mul3A_0 = arith.muli %arg0, %mul3A : i32
    %add3A = arith.addi %mul3A_0, %arg1 : i32
    %mul3A_1 = arith.constant 632 : i32
    %mul3A_2 = arith.muli %arg1, %mul3A_1 : i32
    "tpu.region"() ({
      %run_scoped3A = tpu.sem_alloc : memref<!tpu.dma_semaphore, #tpu.memory_space<semaphore_mem>>
      %dma_start3A = arith.constant 0 : i32
      %dma_start3A_15 = tpu.memref_slice %arg10[%mul3A_2, %dma_start3A] : memref<10112x128xf32, #tpu.memory_space<vmem_shared>> -> memref<632x128xf32, #tpu.memory_space<vmem_shared>>
      %dma_start3A_16 = arith.constant 0 : i32
      %dma_start3A_17 = tpu.memref_slice %arg4[%mul3A_2, %dma_start3A_16] : memref<10112x128xf32, #tpu.memory_space<hbm>> -> memref<632x128xf32, #tpu.memory_space<hbm>>
      tpu.enqueue_dma source(%dma_start3A_17 : memref<632x128xf32, #tpu.memory_space<hbm>>) target(%dma_start3A_15 : memref<632x128xf32, #tpu.memory_space<vmem_shared>>) target_semaphore(%run_scoped3A : memref<!tpu.dma_semaphore, #tpu.memory_space<semaphore_mem>>)
      %dma_wait3A = arith.constant 0 : i32
      %dma_wait3A_18 = tpu.memref_slice %arg10[%mul3A_2, %dma_wait3A] : memref<10112x128xf32, #tpu.memory_space<vmem_shared>> -> memref<632x128xf32, #tpu.memory_space<vmem_shared>>
      %dma_wait3A_19 = arith.constant 0 : i32
      %dma_wait3A_20 = tpu.memref_slice %arg4[%mul3A_2, %dma_wait3A_19] : memref<10112x128xf32, #tpu.memory_space<hbm>> -> memref<632x128xf32, #tpu.memory_space<hbm>>
      tpu.wait_dma2 semaphore(%run_scoped3A : memref<!tpu.dma_semaphore, #tpu.memory_space<semaphore_mem>>) src(%dma_wait3A_20 : memref<632x128xf32, #tpu.memory_space<hbm>>) dst(%dma_wait3A_18 : memref<632x128xf32, #tpu.memory_space<vmem_shared>>)
      tpu.yield
    }) : () -> ()
    "tpu.region"() ({
      %run_scoped3A = tpu.sem_alloc : memref<!tpu.dma_semaphore, #tpu.memory_space<semaphore_mem>>
      %dma_start3A = arith.constant 0 : i32
      %dma_start3A_15 = arith.constant 0 : i32
      %dma_start3A_16 = arith.constant 0 : i32
      %dma_start3A_17 = tpu.memref_slice %arg3[%add3A, %dma_start3A, %dma_start3A_15, %dma_start3A_16] : memref<32x2x125x80xi32, #tpu.memory_space<hbm>> -> memref<1x2x125x80xi32, #tpu.memory_space<hbm>>
      %dma_start3A_18 = tpu.memref_squeeze %dma_start3A_17 : memref<1x2x125x80xi32, #tpu.memory_space<hbm>> -> memref<2x125x80xi32, #tpu.memory_space<hbm>>
      %dma_start3A_19 = arith.constant 0 : i32
      %dma_start3A_20 = arith.constant 0 : i32
      %dma_start3A_21 = arith.constant 0 : i32
      %dma_start3A_22 = tpu.memref_slice %arg3[%add3A, %dma_start3A_19, %dma_start3A_20, %dma_start3A_21] : memref<32x2x125x80xi32, #tpu.memory_space<hbm>> -> memref<1x2x125x80xi32, #tpu.memory_space<hbm>>
      %dma_start3A_23 = tpu.memref_squeeze %dma_start3A_22 : memref<1x2x125x80xi32, #tpu.memory_space<hbm>> -> memref<2x125x80xi32, #tpu.memory_space<hbm>>
      tpu.enqueue_dma source(%dma_start3A_23 : memref<2x125x80xi32, #tpu.memory_space<hbm>>) target(%arg8 : memref<2x125x80xi32, #tpu.memory_space<vmem>>) target_semaphore(%run_scoped3A : memref<!tpu.dma_semaphore, #tpu.memory_space<semaphore_mem>>)
      %dma_wait3A = arith.constant 0 : i32
      %dma_wait3A_24 = arith.constant 0 : i32
      %dma_wait3A_25 = arith.constant 0 : i32
      %dma_wait3A_26 = tpu.memref_slice %arg3[%add3A, %dma_wait3A, %dma_wait3A_24, %dma_wait3A_25] : memref<32x2x125x80xi32, #tpu.memory_space<hbm>> -> memref<1x2x125x80xi32, #tpu.memory_space<hbm>>
      %dma_wait3A_27 = tpu.memref_squeeze %dma_wait3A_26 : memref<1x2x125x80xi32, #tpu.memory_space<hbm>> -> memref<2x125x80xi32, #tpu.memory_space<hbm>>
      %dma_wait3A_28 = arith.constant 0 : i32
      %dma_wait3A_29 = arith.constant 0 : i32
      %dma_wait3A_30 = arith.constant 0 : i32
      %dma_wait3A_31 = tpu.memref_slice %arg3[%add3A, %dma_wait3A_28, %dma_wait3A_29, %dma_wait3A_30] : memref<32x2x125x80xi32, #tpu.memory_space<hbm>> -> memref<1x2x125x80xi32, #tpu.memory_space<hbm>>
      %dma_wait3A_32 = tpu.memref_squeeze %dma_wait3A_31 : memref<1x2x125x80xi32, #tpu.memory_space<hbm>> -> memref<2x125x80xi32, #tpu.memory_space<hbm>>
      tpu.wait_dma2 semaphore(%run_scoped3A : memref<!tpu.dma_semaphore, #tpu.memory_space<semaphore_mem>>) src(%dma_wait3A_32 : memref<2x125x80xi32, #tpu.memory_space<hbm>>) dst(%arg8 : memref<2x125x80xi32, #tpu.memory_space<vmem>>)
      tpu.yield
    }) : () -> ()
    "tpu.region"() ({
      %run_scoped3A = tpu.sem_alloc : memref<!tpu.dma_semaphore, #tpu.memory_space<semaphore_mem>>
      tpu.enqueue_dma source(%arg5 : memref<80x128xf32, #tpu.memory_space<hbm>>) target(%arg9 : memref<80x128xf32, #tpu.memory_space<vmem>>) target_semaphore(%run_scoped3A : memref<!tpu.dma_semaphore, #tpu.memory_space<semaphore_mem>>)
      tpu.wait_dma2 semaphore(%run_scoped3A : memref<!tpu.dma_semaphore, #tpu.memory_space<semaphore_mem>>) src(%arg5 : memref<80x128xf32, #tpu.memory_space<hbm>>) dst(%arg9 : memref<80x128xf32, #tpu.memory_space<vmem>>)
      tpu.yield
    }) : () -> ()
    %barrier3A = arith.constant 0 : index
    tpu.barrier barrier_id(%barrier3A)
    %scan3A = arith.constant 0 : i32
    %scan3A_3 = arith.constant 125 : i32
    %scan3A_4 = arith.addi %scan3A, %scan3A_3 : i32
    %scan3A_5 = arith.constant 1 : i32
    scf.for %scan3A_15 = %scan3A to %scan3A_4 step %scan3A_5  : i32 {
      %mul3A_16 = arith.constant 1 : i32
      %mul3A_17 = arith.muli %scan3A_15, %mul3A_16 : i32
      %add3A_18 = arith.constant 0 : i32
      %add3A_19 = arith.addi %add3A_18, %mul3A_17 : i32
      %run_scoped3A = arith.constant 1 : i32
      "tpu.region"() ({
        %run_scoped3A_20 = tpu.sem_alloc : memref<!tpu.dma_semaphore, #tpu.memory_space<semaphore_mem>>
        %dma_start3A = arith.constant 0 : i32
        %dma_start3A_21 = tpu.memref_slice %arg8[%run_scoped3A, %add3A_19, %dma_start3A] : memref<2x125x80xi32, #tpu.memory_space<vmem>> -> memref<1x1x80xi32, #tpu.memory_space<vmem>>
        %dma_start3A_22 = tpu.memref_squeeze %dma_start3A_21 : memref<1x1x80xi32, #tpu.memory_space<vmem>> -> memref<80xi32, #tpu.memory_space<vmem>>
        %dma_start3A_23 = arith.constant 0 : i32
        %dma_start3A_24 = arith.constant 0 : i32
        %dma_start3A_25 = tpu.memref_slice %arg10[%dma_start3A_23, %dma_start3A_24] : memref<10112x128xf32, #tpu.memory_space<vmem_shared>> -> memref<10112x128xf32, #tpu.memory_space<vmem_shared>>
        tpu.enqueue_indirect_dma source(%arg9 : memref<80x128xf32, #tpu.memory_space<vmem>>) target(%dma_start3A_25 : memref<10112x128xf32, #tpu.memory_space<vmem_shared>>) offsets(%dma_start3A_22 : memref<80xi32, #tpu.memory_space<vmem>>) semaphore(%run_scoped3A_20 : memref<!tpu.dma_semaphore, #tpu.memory_space<semaphore_mem>>) {add = true}
        %dma_wait3A = arith.constant 0 : i32
        %dma_wait3A_26 = tpu.memref_slice %arg8[%run_scoped3A, %add3A_19, %dma_wait3A] : memref<2x125x80xi32, #tpu.memory_space<vmem>> -> memref<1x1x80xi32, #tpu.memory_space<vmem>>
        %dma_wait3A_27 = tpu.memref_squeeze %dma_wait3A_26 : memref<1x1x80xi32, #tpu.memory_space<vmem>> -> memref<80xi32, #tpu.memory_space<vmem>>
        %dma_wait3A_28 = arith.constant 0 : i32
        %dma_wait3A_29 = arith.constant 0 : i32
        %dma_wait3A_30 = tpu.memref_slice %arg10[%dma_wait3A_28, %dma_wait3A_29] : memref<10112x128xf32, #tpu.memory_space<vmem_shared>> -> memref<10112x128xf32, #tpu.memory_space<vmem_shared>>
        tpu.wait_indirect_dma semaphore(%run_scoped3A_20 : memref<!tpu.dma_semaphore, #tpu.memory_space<semaphore_mem>>) src(%arg9 : memref<80x128xf32, #tpu.memory_space<vmem>>) dst(%dma_wait3A_30 : memref<10112x128xf32, #tpu.memory_space<vmem_shared>>)
        tpu.yield
      }) : () -> ()
    }
    %scan3A_6 = arith.constant 125 : i32
    %barrier3A_7 = arith.constant 0 : index
    tpu.barrier barrier_id(%barrier3A_7)
    "tpu.region"() ({
      %run_scoped3A = tpu.sem_alloc : memref<!tpu.dma_semaphore, #tpu.memory_space<semaphore_mem>>
      %dma_start3A = arith.constant 0 : i32
      %dma_start3A_15 = tpu.memref_slice %arg7[%arg0, %mul3A_2, %dma_start3A] : memref<2x10112x128xf32, #tpu.memory_space<hbm>> -> memref<1x632x128xf32, #tpu.memory_space<hbm>>
      %dma_start3A_16 = tpu.memref_squeeze %dma_start3A_15 : memref<1x632x128xf32, #tpu.memory_space<hbm>> -> memref<632x128xf32, #tpu.memory_space<hbm>>
      %dma_start3A_17 = arith.constant 0 : i32
      %dma_start3A_18 = tpu.memref_slice %arg10[%mul3A_2, %dma_start3A_17] : memref<10112x128xf32, #tpu.memory_space<vmem_shared>> -> memref<632x128xf32, #tpu.memory_space<vmem_shared>>
      tpu.enqueue_dma source(%dma_start3A_18 : memref<632x128xf32, #tpu.memory_space<vmem_shared>>) target(%dma_start3A_16 : memref<632x128xf32, #tpu.memory_space<hbm>>) target_semaphore(%run_scoped3A : memref<!tpu.dma_semaphore, #tpu.memory_space<semaphore_mem>>)
      %dma_wait3A = arith.constant 0 : i32
      %dma_wait3A_19 = tpu.memref_slice %arg7[%arg0, %mul3A_2, %dma_wait3A] : memref<2x10112x128xf32, #tpu.memory_space<hbm>> -> memref<1x632x128xf32, #tpu.memory_space<hbm>>
      %dma_wait3A_20 = tpu.memref_squeeze %dma_wait3A_19 : memref<1x632x128xf32, #tpu.memory_space<hbm>> -> memref<632x128xf32, #tpu.memory_space<hbm>>
      %dma_wait3A_21 = arith.constant 0 : i32
      %dma_wait3A_22 = tpu.memref_slice %arg10[%mul3A_2, %dma_wait3A_21] : memref<10112x128xf32, #tpu.memory_space<vmem_shared>> -> memref<632x128xf32, #tpu.memory_space<vmem_shared>>
      tpu.wait_dma2 semaphore(%run_scoped3A : memref<!tpu.dma_semaphore, #tpu.memory_space<semaphore_mem>>) src(%dma_wait3A_22 : memref<632x128xf32, #tpu.memory_space<vmem_shared>>) dst(%dma_wait3A_20 : memref<632x128xf32, #tpu.memory_space<hbm>>)
      tpu.yield
    }) : () -> ()
    "tpu.region"() ({
      %run_scoped3A = tpu.sem_alloc : memref<!tpu.dma_semaphore, #tpu.memory_space<semaphore_mem>>
      %dma_start3A = arith.constant 0 : i32
      %dma_start3A_15 = tpu.memref_slice %arg10[%mul3A_2, %dma_start3A] : memref<10112x128xf32, #tpu.memory_space<vmem_shared>> -> memref<632x128xf32, #tpu.memory_space<vmem_shared>>
      %dma_start3A_16 = arith.constant 0 : i32
      %dma_start3A_17 = tpu.memref_slice %arg4[%mul3A_2, %dma_start3A_16] : memref<10112x128xf32, #tpu.memory_space<hbm>> -> memref<632x128xf32, #tpu.memory_space<hbm>>
      tpu.enqueue_dma source(%dma_start3A_17 : memref<632x128xf32, #tpu.memory_space<hbm>>) target(%dma_start3A_15 : memref<632x128xf32, #tpu.memory_space<vmem_shared>>) target_semaphore(%run_scoped3A : memref<!tpu.dma_semaphore, #tpu.memory_space<semaphore_mem>>)
      %dma_wait3A = arith.constant 0 : i32
      %dma_wait3A_18 = tpu.memref_slice %arg10[%mul3A_2, %dma_wait3A] : memref<10112x128xf32, #tpu.memory_space<vmem_shared>> -> memref<632x128xf32, #tpu.memory_space<vmem_shared>>
      %dma_wait3A_19 = arith.constant 0 : i32
      %dma_wait3A_20 = tpu.memref_slice %arg4[%mul3A_2, %dma_wait3A_19] : memref<10112x128xf32, #tpu.memory_space<hbm>> -> memref<632x128xf32, #tpu.memory_space<hbm>>
      tpu.wait_dma2 semaphore(%run_scoped3A : memref<!tpu.dma_semaphore, #tpu.memory_space<semaphore_mem>>) src(%dma_wait3A_20 : memref<632x128xf32, #tpu.memory_space<hbm>>) dst(%dma_wait3A_18 : memref<632x128xf32, #tpu.memory_space<vmem_shared>>)
      tpu.yield
    }) : () -> ()
    %barrier3A_8 = arith.constant 0 : index
    tpu.barrier barrier_id(%barrier3A_8)
    %scan3A_9 = arith.constant 0 : i32
    %scan3A_10 = arith.constant 125 : i32
    %scan3A_11 = arith.addi %scan3A_9, %scan3A_10 : i32
    %scan3A_12 = arith.constant 1 : i32
    scf.for %scan3A_15 = %scan3A_9 to %scan3A_11 step %scan3A_12  : i32 {
      %mul3A_16 = arith.constant 1 : i32
      %mul3A_17 = arith.muli %scan3A_15, %mul3A_16 : i32
      %add3A_18 = arith.constant 0 : i32
      %add3A_19 = arith.addi %add3A_18, %mul3A_17 : i32
      %dma_start3A = arith.constant 0 : i32
      %dma_start3A_20 = arith.constant 0 : i32
      %dma_start3A_21 = tpu.memref_slice %arg8[%dma_start3A, %add3A_19, %dma_start3A_20] : memref<2x125x80xi32, #tpu.memory_space<vmem>> -> memref<1x1x80xi32, #tpu.memory_space<vmem>>
      %dma_start3A_22 = tpu.memref_squeeze %dma_start3A_21 : memref<1x1x80xi32, #tpu.memory_space<vmem>> -> memref<80xi32, #tpu.memory_space<vmem>>
      %dma_start3A_23 = arith.constant 0 : i32
      %dma_start3A_24 = arith.constant 0 : i32
      %dma_start3A_25 = tpu.memref_slice %arg2[%dma_start3A_23, %dma_start3A_24] : memref<10000x128xf32, #tpu.memory_space<hbm>> -> memref<10000x128xf32, #tpu.memory_space<hbm>>
      tpu.enqueue_indirect_dma source(%dma_start3A_25 : memref<10000x128xf32, #tpu.memory_space<hbm>>) target(%arg9 : memref<80x128xf32, #tpu.memory_space<vmem>>) offsets(%dma_start3A_22 : memref<80xi32, #tpu.memory_space<vmem>>) semaphore(%arg11 : memref<!tpu.dma_semaphore, #tpu.memory_space<semaphore_mem>>)
      %dma_wait3A = arith.constant 0 : i32
      %dma_wait3A_26 = arith.constant 0 : i32
      %dma_wait3A_27 = tpu.memref_slice %arg8[%dma_wait3A, %add3A_19, %dma_wait3A_26] : memref<2x125x80xi32, #tpu.memory_space<vmem>> -> memref<1x1x80xi32, #tpu.memory_space<vmem>>
      %dma_wait3A_28 = tpu.memref_squeeze %dma_wait3A_27 : memref<1x1x80xi32, #tpu.memory_space<vmem>> -> memref<80xi32, #tpu.memory_space<vmem>>
      %dma_wait3A_29 = arith.constant 0 : i32
      %dma_wait3A_30 = arith.constant 0 : i32
      %dma_wait3A_31 = tpu.memref_slice %arg2[%dma_wait3A_29, %dma_wait3A_30] : memref<10000x128xf32, #tpu.memory_space<hbm>> -> memref<10000x128xf32, #tpu.memory_space<hbm>>
      tpu.wait_indirect_dma semaphore(%arg11 : memref<!tpu.dma_semaphore, #tpu.memory_space<semaphore_mem>>) src(%dma_wait3A_31 : memref<10000x128xf32, #tpu.memory_space<hbm>>) dst(%arg9 : memref<80x128xf32, #tpu.memory_space<vmem>>)
      %run_scoped3A = arith.constant 1 : i32
      "tpu.region"() ({
        %run_scoped3A_32 = tpu.sem_alloc : memref<!tpu.dma_semaphore, #tpu.memory_space<semaphore_mem>>
        %dma_start3A_33 = arith.constant 0 : i32
        %dma_start3A_34 = tpu.memref_slice %arg8[%run_scoped3A, %add3A_19, %dma_start3A_33] : memref<2x125x80xi32, #tpu.memory_space<vmem>> -> memref<1x1x80xi32, #tpu.memory_space<vmem>>
        %dma_start3A_35 = tpu.memref_squeeze %dma_start3A_34 : memref<1x1x80xi32, #tpu.memory_space<vmem>> -> memref<80xi32, #tpu.memory_space<vmem>>
        %dma_start3A_36 = arith.constant 0 : i32
        %dma_start3A_37 = arith.constant 0 : i32
        %dma_start3A_38 = tpu.memref_slice %arg10[%dma_start3A_36, %dma_start3A_37] : memref<10112x128xf32, #tpu.memory_space<vmem_shared>> -> memref<10112x128xf32, #tpu.memory_space<vmem_shared>>
        tpu.enqueue_indirect_dma source(%arg9 : memref<80x128xf32, #tpu.memory_space<vmem>>) target(%dma_start3A_38 : memref<10112x128xf32, #tpu.memory_space<vmem_shared>>) offsets(%dma_start3A_35 : memref<80xi32, #tpu.memory_space<vmem>>) semaphore(%run_scoped3A_32 : memref<!tpu.dma_semaphore, #tpu.memory_space<semaphore_mem>>) {add = true}
        %dma_wait3A_39 = arith.constant 0 : i32
        %dma_wait3A_40 = tpu.memref_slice %arg8[%run_scoped3A, %add3A_19, %dma_wait3A_39] : memref<2x125x80xi32, #tpu.memory_space<vmem>> -> memref<1x1x80xi32, #tpu.memory_space<vmem>>
        %dma_wait3A_41 = tpu.memref_squeeze %dma_wait3A_40 : memref<1x1x80xi32, #tpu.memory_space<vmem>> -> memref<80xi32, #tpu.memory_space<vmem>>
        %dma_wait3A_42 = arith.constant 0 : i32
        %dma_wait3A_43 = arith.constant 0 : i32
        %dma_wait3A_44 = tpu.memref_slice %arg10[%dma_wait3A_42, %dma_wait3A_43] : memref<10112x128xf32, #tpu.memory_space<vmem_shared>> -> memref<10112x128xf32, #tpu.memory_space<vmem_shared>>
        tpu.wait_indirect_dma semaphore(%run_scoped3A_32 : memref<!tpu.dma_semaphore, #tpu.memory_space<semaphore_mem>>) src(%arg9 : memref<80x128xf32, #tpu.memory_space<vmem>>) dst(%dma_wait3A_44 : memref<10112x128xf32, #tpu.memory_space<vmem_shared>>)
        tpu.yield
      }) : () -> ()
    }
    %scan3A_13 = arith.constant 125 : i32
    %barrier3A_14 = arith.constant 0 : index
    tpu.barrier barrier_id(%barrier3A_14)
    "tpu.region"() ({
      %run_scoped3A = tpu.sem_alloc : memref<!tpu.dma_semaphore, #tpu.memory_space<semaphore_mem>>
      %dma_start3A = arith.constant 0 : i32
      %dma_start3A_15 = tpu.memref_slice %arg6[%arg0, %mul3A_2, %dma_start3A] : memref<2x10112x128xf32, #tpu.memory_space<hbm>> -> memref<1x632x128xf32, #tpu.memory_space<hbm>>
      %dma_start3A_16 = tpu.memref_squeeze %dma_start3A_15 : memref<1x632x128xf32, #tpu.memory_space<hbm>> -> memref<632x128xf32, #tpu.memory_space<hbm>>
      %dma_start3A_17 = arith.constant 0 : i32
      %dma_start3A_18 = tpu.memref_slice %arg10[%mul3A_2, %dma_start3A_17] : memref<10112x128xf32, #tpu.memory_space<vmem_shared>> -> memref<632x128xf32, #tpu.memory_space<vmem_shared>>
      tpu.enqueue_dma source(%dma_start3A_18 : memref<632x128xf32, #tpu.memory_space<vmem_shared>>) target(%dma_start3A_16 : memref<632x128xf32, #tpu.memory_space<hbm>>) target_semaphore(%run_scoped3A : memref<!tpu.dma_semaphore, #tpu.memory_space<semaphore_mem>>)
      %dma_wait3A = arith.constant 0 : i32
      %dma_wait3A_19 = tpu.memref_slice %arg6[%arg0, %mul3A_2, %dma_wait3A] : memref<2x10112x128xf32, #tpu.memory_space<hbm>> -> memref<1x632x128xf32, #tpu.memory_space<hbm>>
      %dma_wait3A_20 = tpu.memref_squeeze %dma_wait3A_19 : memref<1x632x128xf32, #tpu.memory_space<hbm>> -> memref<632x128xf32, #tpu.memory_space<hbm>>
      %dma_wait3A_21 = arith.constant 0 : i32
      %dma_wait3A_22 = tpu.memref_slice %arg10[%mul3A_2, %dma_wait3A_21] : memref<10112x128xf32, #tpu.memory_space<vmem_shared>> -> memref<632x128xf32, #tpu.memory_space<vmem_shared>>
      tpu.wait_dma2 semaphore(%run_scoped3A : memref<!tpu.dma_semaphore, #tpu.memory_space<semaphore_mem>>) src(%dma_wait3A_22 : memref<632x128xf32, #tpu.memory_space<vmem_shared>>) dst(%dma_wait3A_20 : memref<632x128xf32, #tpu.memory_space<hbm>>)
      tpu.yield
    }) : () -> ()
    return
  }
}

module attributes {stable_mosaic.version = 14 : i64} {
  func.func @_mf_body(%arg0: i32, %arg1: memref<2x1000x128xf32, #tpu.memory_space<vmem>>, %arg2: memref<1000x128xf32, #tpu.memory_space<vmem>>, %arg3: memref<2x1000x128xf32, #tpu.memory_space<vmem>>, %arg4: memref<128x768xf32, #tpu.memory_space<vmem>>, %arg5: memref<128x768xf32, #tpu.memory_space<vmem>>, %arg6: memref<1x768xf32, #tpu.memory_space<vmem>>, %arg7: memref<1000x128xf32, #tpu.memory_space<vmem>>) attributes {dimension_semantics = [#tpu.dimension_semantics<arbitrary>], iteration_bounds = array<i64: 10>, scalar_prefetch = 0 : i64, scratch_operands = 0 : i64, tpu.core_type = #tpu.core_type<tc>, window_params = [{transform_indices = @transform_0, window_bounds = array<i64: 2, 1000, 128>}, {transform_indices = @transform_1, window_bounds = array<i64: 1000, 128>}, {transform_indices = @transform_2, window_bounds = array<i64: 2, 1000, 128>}, {pipeline_mode = #tpu.pipeline_mode<synchronous>, transform_indices = @transform_3, window_bounds = array<i64: 128, 768>}, {pipeline_mode = #tpu.pipeline_mode<synchronous>, transform_indices = @transform_4, window_bounds = array<i64: 128, 768>}, {pipeline_mode = #tpu.pipeline_mode<synchronous>, transform_indices = @transform_5, window_bounds = array<i64: 1, 768>}, {transform_indices = @transform_6, window_bounds = array<i64: 1000, 128>}]} {
    %get3A = arith.constant 0 : index
    %get3A_0 = arith.constant 0 : index
    %get3A_1 = arith.constant 0 : index
    %get3A_2 = vector.load %arg1[%get3A, %get3A_0, %get3A_1] : memref<2x1000x128xf32, #tpu.memory_space<vmem>>, vector<1x1000x128xf32>
    %get3A_3 = vector.shape_cast %get3A_2 : vector<1x1000x128xf32> to vector<1000x128xf32>
    %get3A_4 = arith.constant 1 : index
    %get3A_5 = arith.constant 0 : index
    %get3A_6 = arith.constant 0 : index
    %get3A_7 = vector.load %arg1[%get3A_4, %get3A_5, %get3A_6] : memref<2x1000x128xf32, #tpu.memory_space<vmem>>, vector<1x1000x128xf32>
    %get3A_8 = vector.shape_cast %get3A_7 : vector<1x1000x128xf32> to vector<1000x128xf32>
    %add3A = arith.addf %get3A_3, %get3A_8 : vector<1000x128xf32>
    %get3A_9 = arith.constant 0 : index
    %get3A_10 = arith.constant 0 : index
    %get3A_11 = vector.load %arg4[%get3A_9, %get3A_10] : memref<128x768xf32, #tpu.memory_space<vmem>>, vector<128x768xf32>
    %dot_general3A = arith.constant dense<0.000000e+00> : vector<1000x768xf32>
    %dot_general3A_12 = tpu.matmul %add3A, %get3A_11, %dot_general3A {dimension_numbers = #tpu.dot_dimension_numbers<[1], [0], [0], [1], [0, 0, 1, 1], [], []>, transpose_lhs_hint = false} : vector<1000x128xf32>, vector<128x768xf32>, vector<1000x768xf32> -> vector<1000x768xf32>
    %get3A_13 = arith.constant 0 : index
    %get3A_14 = arith.constant 0 : index
    %get3A_15 = vector.load %arg2[%get3A_13, %get3A_14] : memref<1000x128xf32, #tpu.memory_space<vmem>>, vector<1000x128xf32>
    %get3A_16 = arith.constant 0 : index
    %get3A_17 = arith.constant 0 : index
    %get3A_18 = vector.load %arg5[%get3A_16, %get3A_17] : memref<128x768xf32, #tpu.memory_space<vmem>>, vector<128x768xf32>
    %dot_general3A_19 = arith.constant dense<0.000000e+00> : vector<1000x768xf32>
    %dot_general3A_20 = tpu.matmul %get3A_15, %get3A_18, %dot_general3A_19 {dimension_numbers = #tpu.dot_dimension_numbers<[1], [0], [0], [1], [0, 0, 1, 1], [], []>, transpose_lhs_hint = false} : vector<1000x128xf32>, vector<128x768xf32>, vector<1000x768xf32> -> vector<1000x768xf32>
    %add3A_21 = arith.addf %dot_general3A_12, %dot_general3A_20 : vector<1000x768xf32>
    %get3A_22 = arith.constant 0 : index
    %get3A_23 = arith.constant 0 : index
    %get3A_24 = vector.load %arg6[%get3A_22, %get3A_23] : memref<1x768xf32, #tpu.memory_space<vmem>>, vector<1x768xf32>
    %add3A_25 = vector.broadcast %get3A_24 : vector<1x768xf32> to vector<1000x768xf32>
    %add3A_26 = arith.addf %add3A_21, %add3A_25 : vector<1000x768xf32>
    %get3A_27 = arith.constant 0 : index
    %get3A_28 = arith.constant 0 : index
    %get3A_29 = arith.constant 0 : index
    %get3A_30 = vector.load %arg3[%get3A_27, %get3A_28, %get3A_29] : memref<2x1000x128xf32, #tpu.memory_space<vmem>>, vector<1x1000x1xf32>
    %get3A_31 = vector.shape_cast %get3A_30 : vector<1x1000x1xf32> to vector<1000x1xf32>
    %get3A_32 = arith.constant 1 : index
    %get3A_33 = arith.constant 0 : index
    %get3A_34 = arith.constant 0 : index
    %get3A_35 = vector.load %arg3[%get3A_32, %get3A_33, %get3A_34] : memref<2x1000x128xf32, #tpu.memory_space<vmem>>, vector<1x1000x1xf32>
    %get3A_36 = vector.shape_cast %get3A_35 : vector<1x1000x1xf32> to vector<1000x1xf32>
    %add3A_37 = arith.addf %get3A_31, %get3A_36 : vector<1000x1xf32>
    %min3A = arith.constant 5.000000e+00 : f32
    %min3A_38 = vector.broadcast %min3A : f32 to vector<1000x1xf32>
    %min3A_39 = arith.minimumf %add3A_37, %min3A_38 : vector<1000x1xf32>
    %slice3A = vector.extract_strided_slice %add3A_26 {offsets = [0, 0], sizes = [1000, 128], strides = [1, 1]} : vector<1000x768xf32> to vector<1000x128xf32>
    %eq3A = arith.constant 1.000000e+00 : f32
    %eq3A_40 = vector.broadcast %eq3A : f32 to vector<1000x1xf32>
    %eq3A_41 = arith.cmpf oeq, %min3A_39, %eq3A_40 : vector<1000x1xf32>
    %slice3A_42 = vector.extract_strided_slice %add3A_26 {offsets = [0, 128], sizes = [1000, 128], strides = [1, 1]} : vector<1000x768xf32> to vector<1000x128xf32>
    %broadcast_in_dim3A = vector.shape_cast %eq3A_41 : vector<1000x1xi1> to vector<1000x1xi1>
    %broadcast_in_dim3A_43 = vector.broadcast %broadcast_in_dim3A : vector<1000x1xi1> to vector<1000x128xi1>
    %select_n3A = arith.select %broadcast_in_dim3A_43, %slice3A_42, %slice3A : vector<1000x128xi1>, vector<1000x128xf32>
    %eq3A_44 = arith.constant 2.000000e+00 : f32
    %eq3A_45 = vector.broadcast %eq3A_44 : f32 to vector<1000x1xf32>
    %eq3A_46 = arith.cmpf oeq, %min3A_39, %eq3A_45 : vector<1000x1xf32>
    %slice3A_47 = vector.extract_strided_slice %add3A_26 {offsets = [0, 256], sizes = [1000, 128], strides = [1, 1]} : vector<1000x768xf32> to vector<1000x128xf32>
    %broadcast_in_dim3A_48 = vector.shape_cast %eq3A_46 : vector<1000x1xi1> to vector<1000x1xi1>
    %broadcast_in_dim3A_49 = vector.broadcast %broadcast_in_dim3A_48 : vector<1000x1xi1> to vector<1000x128xi1>
    %select_n3A_50 = arith.select %broadcast_in_dim3A_49, %slice3A_47, %select_n3A : vector<1000x128xi1>, vector<1000x128xf32>
    %eq3A_51 = arith.constant 3.000000e+00 : f32
    %eq3A_52 = vector.broadcast %eq3A_51 : f32 to vector<1000x1xf32>
    %eq3A_53 = arith.cmpf oeq, %min3A_39, %eq3A_52 : vector<1000x1xf32>
    %slice3A_54 = vector.extract_strided_slice %add3A_26 {offsets = [0, 384], sizes = [1000, 128], strides = [1, 1]} : vector<1000x768xf32> to vector<1000x128xf32>
    %broadcast_in_dim3A_55 = vector.shape_cast %eq3A_53 : vector<1000x1xi1> to vector<1000x1xi1>
    %broadcast_in_dim3A_56 = vector.broadcast %broadcast_in_dim3A_55 : vector<1000x1xi1> to vector<1000x128xi1>
    %select_n3A_57 = arith.select %broadcast_in_dim3A_56, %slice3A_54, %select_n3A_50 : vector<1000x128xi1>, vector<1000x128xf32>
    %eq3A_58 = arith.constant 4.000000e+00 : f32
    %eq3A_59 = vector.broadcast %eq3A_58 : f32 to vector<1000x1xf32>
    %eq3A_60 = arith.cmpf oeq, %min3A_39, %eq3A_59 : vector<1000x1xf32>
    %slice3A_61 = vector.extract_strided_slice %add3A_26 {offsets = [0, 512], sizes = [1000, 128], strides = [1, 1]} : vector<1000x768xf32> to vector<1000x128xf32>
    %broadcast_in_dim3A_62 = vector.shape_cast %eq3A_60 : vector<1000x1xi1> to vector<1000x1xi1>
    %broadcast_in_dim3A_63 = vector.broadcast %broadcast_in_dim3A_62 : vector<1000x1xi1> to vector<1000x128xi1>
    %select_n3A_64 = arith.select %broadcast_in_dim3A_63, %slice3A_61, %select_n3A_57 : vector<1000x128xi1>, vector<1000x128xf32>
    %eq3A_65 = arith.constant 5.000000e+00 : f32
    %eq3A_66 = vector.broadcast %eq3A_65 : f32 to vector<1000x1xf32>
    %eq3A_67 = arith.cmpf oeq, %min3A_39, %eq3A_66 : vector<1000x1xf32>
    %slice3A_68 = vector.extract_strided_slice %add3A_26 {offsets = [0, 640], sizes = [1000, 128], strides = [1, 1]} : vector<1000x768xf32> to vector<1000x128xf32>
    %broadcast_in_dim3A_69 = vector.shape_cast %eq3A_67 : vector<1000x1xi1> to vector<1000x1xi1>
    %broadcast_in_dim3A_70 = vector.broadcast %broadcast_in_dim3A_69 : vector<1000x1xi1> to vector<1000x128xi1>
    %select_n3A_71 = arith.select %broadcast_in_dim3A_70, %slice3A_68, %select_n3A_64 : vector<1000x128xi1>, vector<1000x128xf32>
    %swap3A = arith.constant 0 : index
    %swap3A_72 = arith.constant 0 : index
    %swap3A_73 = vector.load %arg7[%swap3A, %swap3A_72] : memref<1000x128xf32, #tpu.memory_space<vmem>>, vector<1000x128xf32>
    tpu.vector_store %arg7[%swap3A, %swap3A_72], %select_n3A_71 {strides = array<i32>} : memref<1000x128xf32, #tpu.memory_space<vmem>>, vector<1000x128xf32>,
    return
  }
  func.func @transform_0(%arg0: i32) -> (i32, i32, i32) {
    %c0_i32 = arith.constant 0 : i32
    %c0_i32_0 = arith.constant 0 : i32
    %c0_i32_1 = arith.constant 0 : i32
    return %c0_i32, %arg0, %c0_i32_0 : i32, i32, i32
  }
  func.func @transform_1(%arg0: i32) -> (i32, i32) {
    %c0_i32 = arith.constant 0 : i32
    %c0_i32_0 = arith.constant 0 : i32
    return %arg0, %c0_i32 : i32, i32
  }
  func.func @transform_2(%arg0: i32) -> (i32, i32, i32) {
    %c0_i32 = arith.constant 0 : i32
    %c0_i32_0 = arith.constant 0 : i32
    %c0_i32_1 = arith.constant 0 : i32
    return %c0_i32, %arg0, %c0_i32_0 : i32, i32, i32
  }
  func.func @transform_3(%arg0: i32) -> (i32, i32) {
    %c0_i32 = arith.constant 0 : i32
    %c0_i32_0 = arith.constant 0 : i32
    %c0_i32_1 = arith.constant 0 : i32
    return %c0_i32, %c0_i32_0 : i32, i32
  }
  func.func @transform_4(%arg0: i32) -> (i32, i32) {
    %c0_i32 = arith.constant 0 : i32
    %c0_i32_0 = arith.constant 0 : i32
    %c0_i32_1 = arith.constant 0 : i32
    return %c0_i32, %c0_i32_0 : i32, i32
  }
  func.func @transform_5(%arg0: i32) -> (i32, i32) {
    %c0_i32 = arith.constant 0 : i32
    %c0_i32_0 = arith.constant 0 : i32
    %c0_i32_1 = arith.constant 0 : i32
    return %c0_i32, %c0_i32_0 : i32, i32
  }
  func.func @transform_6(%arg0: i32) -> (i32, i32) {
    %c0_i32 = arith.constant 0 : i32
    %c0_i32_0 = arith.constant 0 : i32
    return %arg0, %c0_i32 : i32, i32
  }
}

module attributes {stable_mosaic.version = 14 : i64} {
  func.func @_mf2_body(%arg0: i32, %arg1: memref<2x1000x128xf32, #tpu.memory_space<vmem>>, %arg2: memref<1000x128xf32, #tpu.memory_space<vmem>>, %arg3: memref<2x1000x128xf32, #tpu.memory_space<vmem>>, %arg4: memref<128x768xf32, #tpu.memory_space<vmem>>, %arg5: memref<128x768xf32, #tpu.memory_space<vmem>>, %arg6: memref<1x768xf32, #tpu.memory_space<vmem>>, %arg7: memref<1000x1xi32, #tpu.memory_space<vmem>>, %arg8: memref<1000x128xf32, #tpu.memory_space<vmem>>, %arg9: memref<64x128xf32, #tpu.memory_space<vmem>>) attributes {dimension_semantics = [#tpu.dimension_semantics<arbitrary>], iteration_bounds = array<i64: 10>, scalar_prefetch = 0 : i64, scratch_operands = 0 : i64, tpu.core_type = #tpu.core_type<tc>, window_params = [{transform_indices = @transform_0, window_bounds = array<i64: 2, 1000, 128>}, {transform_indices = @transform_1, window_bounds = array<i64: 1000, 128>}, {transform_indices = @transform_2, window_bounds = array<i64: 2, 1000, 128>}, {pipeline_mode = #tpu.pipeline_mode<synchronous>, transform_indices = @transform_3, window_bounds = array<i64: 128, 768>}, {pipeline_mode = #tpu.pipeline_mode<synchronous>, transform_indices = @transform_4, window_bounds = array<i64: 128, 768>}, {pipeline_mode = #tpu.pipeline_mode<synchronous>, transform_indices = @transform_5, window_bounds = array<i64: 1, 768>}, {transform_indices = @transform_6, window_bounds = array<i64: 1000, 1>}, {transform_indices = @transform_7, window_bounds = array<i64: 1000, 128>}, {pipeline_mode = #tpu.pipeline_mode<synchronous>, transform_indices = @transform_8, window_bounds = array<i64: 64, 128>}]} {
    %get3A = arith.constant 0 : index
    %get3A_0 = arith.constant 0 : index
    %get3A_1 = arith.constant 0 : index
    %get3A_2 = vector.load %arg1[%get3A, %get3A_0, %get3A_1] : memref<2x1000x128xf32, #tpu.memory_space<vmem>>, vector<1x1000x128xf32>
    %get3A_3 = vector.shape_cast %get3A_2 : vector<1x1000x128xf32> to vector<1000x128xf32>
    %get3A_4 = arith.constant 1 : index
    %get3A_5 = arith.constant 0 : index
    %get3A_6 = arith.constant 0 : index
    %get3A_7 = vector.load %arg1[%get3A_4, %get3A_5, %get3A_6] : memref<2x1000x128xf32, #tpu.memory_space<vmem>>, vector<1x1000x128xf32>
    %get3A_8 = vector.shape_cast %get3A_7 : vector<1x1000x128xf32> to vector<1000x128xf32>
    %add3A = arith.addf %get3A_3, %get3A_8 : vector<1000x128xf32>
    %get3A_9 = arith.constant 0 : index
    %get3A_10 = arith.constant 0 : index
    %get3A_11 = vector.load %arg4[%get3A_9, %get3A_10] : memref<128x768xf32, #tpu.memory_space<vmem>>, vector<128x768xf32>
    %dot_general3A = arith.constant dense<0.000000e+00> : vector<1000x768xf32>
    %dot_general3A_12 = tpu.matmul %add3A, %get3A_11, %dot_general3A {dimension_numbers = #tpu.dot_dimension_numbers<[1], [0], [0], [1], [0, 0, 1, 1], [], []>, transpose_lhs_hint = false} : vector<1000x128xf32>, vector<128x768xf32>, vector<1000x768xf32> -> vector<1000x768xf32>
    %get3A_13 = arith.constant 0 : index
    %get3A_14 = arith.constant 0 : index
    %get3A_15 = vector.load %arg2[%get3A_13, %get3A_14] : memref<1000x128xf32, #tpu.memory_space<vmem>>, vector<1000x128xf32>
    %get3A_16 = arith.constant 0 : index
    %get3A_17 = arith.constant 0 : index
    %get3A_18 = vector.load %arg5[%get3A_16, %get3A_17] : memref<128x768xf32, #tpu.memory_space<vmem>>, vector<128x768xf32>
    %dot_general3A_19 = arith.constant dense<0.000000e+00> : vector<1000x768xf32>
    %dot_general3A_20 = tpu.matmul %get3A_15, %get3A_18, %dot_general3A_19 {dimension_numbers = #tpu.dot_dimension_numbers<[1], [0], [0], [1], [0, 0, 1, 1], [], []>, transpose_lhs_hint = false} : vector<1000x128xf32>, vector<128x768xf32>, vector<1000x768xf32> -> vector<1000x768xf32>
    %add3A_21 = arith.addf %dot_general3A_12, %dot_general3A_20 : vector<1000x768xf32>
    %get3A_22 = arith.constant 0 : index
    %get3A_23 = arith.constant 0 : index
    %get3A_24 = vector.load %arg6[%get3A_22, %get3A_23] : memref<1x768xf32, #tpu.memory_space<vmem>>, vector<1x768xf32>
    %add3A_25 = vector.broadcast %get3A_24 : vector<1x768xf32> to vector<1000x768xf32>
    %add3A_26 = arith.addf %add3A_21, %add3A_25 : vector<1000x768xf32>
    %get3A_27 = arith.constant 0 : index
    %get3A_28 = arith.constant 0 : index
    %get3A_29 = arith.constant 0 : index
    %get3A_30 = vector.load %arg3[%get3A_27, %get3A_28, %get3A_29] : memref<2x1000x128xf32, #tpu.memory_space<vmem>>, vector<1x1000x1xf32>
    %get3A_31 = vector.shape_cast %get3A_30 : vector<1x1000x1xf32> to vector<1000x1xf32>
    %get3A_32 = arith.constant 1 : index
    %get3A_33 = arith.constant 0 : index
    %get3A_34 = arith.constant 0 : index
    %get3A_35 = vector.load %arg3[%get3A_32, %get3A_33, %get3A_34] : memref<2x1000x128xf32, #tpu.memory_space<vmem>>, vector<1x1000x1xf32>
    %get3A_36 = vector.shape_cast %get3A_35 : vector<1x1000x1xf32> to vector<1000x1xf32>
    %add3A_37 = arith.addf %get3A_31, %get3A_36 : vector<1000x1xf32>
    %min3A = arith.constant 5.000000e+00 : f32
    %min3A_38 = vector.broadcast %min3A : f32 to vector<1000x1xf32>
    %min3A_39 = arith.minimumf %add3A_37, %min3A_38 : vector<1000x1xf32>
    %slice3A = vector.extract_strided_slice %add3A_26 {offsets = [0, 0], sizes = [1000, 128], strides = [1, 1]} : vector<1000x768xf32> to vector<1000x128xf32>
    %eq3A = arith.constant 1.000000e+00 : f32
    %eq3A_40 = vector.broadcast %eq3A : f32 to vector<1000x1xf32>
    %eq3A_41 = arith.cmpf oeq, %min3A_39, %eq3A_40 : vector<1000x1xf32>
    %slice3A_42 = vector.extract_strided_slice %add3A_26 {offsets = [0, 128], sizes = [1000, 128], strides = [1, 1]} : vector<1000x768xf32> to vector<1000x128xf32>
    %broadcast_in_dim3A = vector.shape_cast %eq3A_41 : vector<1000x1xi1> to vector<1000x1xi1>
    %broadcast_in_dim3A_43 = vector.broadcast %broadcast_in_dim3A : vector<1000x1xi1> to vector<1000x128xi1>
    %select_n3A = arith.select %broadcast_in_dim3A_43, %slice3A_42, %slice3A : vector<1000x128xi1>, vector<1000x128xf32>
    %eq3A_44 = arith.constant 2.000000e+00 : f32
    %eq3A_45 = vector.broadcast %eq3A_44 : f32 to vector<1000x1xf32>
    %eq3A_46 = arith.cmpf oeq, %min3A_39, %eq3A_45 : vector<1000x1xf32>
    %slice3A_47 = vector.extract_strided_slice %add3A_26 {offsets = [0, 256], sizes = [1000, 128], strides = [1, 1]} : vector<1000x768xf32> to vector<1000x128xf32>
    %broadcast_in_dim3A_48 = vector.shape_cast %eq3A_46 : vector<1000x1xi1> to vector<1000x1xi1>
    %broadcast_in_dim3A_49 = vector.broadcast %broadcast_in_dim3A_48 : vector<1000x1xi1> to vector<1000x128xi1>
    %select_n3A_50 = arith.select %broadcast_in_dim3A_49, %slice3A_47, %select_n3A : vector<1000x128xi1>, vector<1000x128xf32>
    %eq3A_51 = arith.constant 3.000000e+00 : f32
    %eq3A_52 = vector.broadcast %eq3A_51 : f32 to vector<1000x1xf32>
    %eq3A_53 = arith.cmpf oeq, %min3A_39, %eq3A_52 : vector<1000x1xf32>
    %slice3A_54 = vector.extract_strided_slice %add3A_26 {offsets = [0, 384], sizes = [1000, 128], strides = [1, 1]} : vector<1000x768xf32> to vector<1000x128xf32>
    %broadcast_in_dim3A_55 = vector.shape_cast %eq3A_53 : vector<1000x1xi1> to vector<1000x1xi1>
    %broadcast_in_dim3A_56 = vector.broadcast %broadcast_in_dim3A_55 : vector<1000x1xi1> to vector<1000x128xi1>
    %select_n3A_57 = arith.select %broadcast_in_dim3A_56, %slice3A_54, %select_n3A_50 : vector<1000x128xi1>, vector<1000x128xf32>
    %eq3A_58 = arith.constant 4.000000e+00 : f32
    %eq3A_59 = vector.broadcast %eq3A_58 : f32 to vector<1000x1xf32>
    %eq3A_60 = arith.cmpf oeq, %min3A_39, %eq3A_59 : vector<1000x1xf32>
    %slice3A_61 = vector.extract_strided_slice %add3A_26 {offsets = [0, 512], sizes = [1000, 128], strides = [1, 1]} : vector<1000x768xf32> to vector<1000x128xf32>
    %broadcast_in_dim3A_62 = vector.shape_cast %eq3A_60 : vector<1000x1xi1> to vector<1000x1xi1>
    %broadcast_in_dim3A_63 = vector.broadcast %broadcast_in_dim3A_62 : vector<1000x1xi1> to vector<1000x128xi1>
    %select_n3A_64 = arith.select %broadcast_in_dim3A_63, %slice3A_61, %select_n3A_57 : vector<1000x128xi1>, vector<1000x128xf32>
    %eq3A_65 = arith.constant 5.000000e+00 : f32
    %eq3A_66 = vector.broadcast %eq3A_65 : f32 to vector<1000x1xf32>
    %eq3A_67 = arith.cmpf oeq, %min3A_39, %eq3A_66 : vector<1000x1xf32>
    %slice3A_68 = vector.extract_strided_slice %add3A_26 {offsets = [0, 640], sizes = [1000, 128], strides = [1, 1]} : vector<1000x768xf32> to vector<1000x128xf32>
    %broadcast_in_dim3A_69 = vector.shape_cast %eq3A_67 : vector<1000x1xi1> to vector<1000x1xi1>
    %broadcast_in_dim3A_70 = vector.broadcast %broadcast_in_dim3A_69 : vector<1000x1xi1> to vector<1000x128xi1>
    %select_n3A_71 = arith.select %broadcast_in_dim3A_70, %slice3A_68, %select_n3A_64 : vector<1000x128xi1>, vector<1000x128xf32>
    %swap3A = arith.constant 0 : index
    %swap3A_72 = arith.constant 0 : index
    %swap3A_73 = vector.load %arg8[%swap3A, %swap3A_72] : memref<1000x128xf32, #tpu.memory_space<vmem>>, vector<1000x128xf32>
    tpu.vector_store %arg8[%swap3A, %swap3A_72], %select_n3A_71 {strides = array<i32>} : memref<1000x128xf32, #tpu.memory_space<vmem>>, vector<1000x128xf32>,
    %eq3A_74 = arith.constant 0 : i32
    %eq3A_75 = arith.cmpi eq, %arg0, %eq3A_74 : i32
    %convert_element_type3A = arith.extui %eq3A_75 : i1 to i32
    %cond3A = arith.constant 0 : i32
    %cond3A_76 = arith.cmpi ne, %convert_element_type3A, %cond3A : i32
    scf.if %cond3A_76 {
      %broadcast_in_dim3A_93 = arith.constant 0.000000e+00 : f32
      %broadcast_in_dim3A_94 = vector.broadcast %broadcast_in_dim3A_93 : f32 to vector<64x128xf32>
      %swap3A_95 = arith.constant 0 : index
      %swap3A_96 = arith.constant 0 : index
      %swap3A_97 = vector.load %arg9[%swap3A_95, %swap3A_96] : memref<64x128xf32, #tpu.memory_space<vmem>>, vector<64x128xf32>
      tpu.vector_store %arg9[%swap3A_95, %swap3A_96], %broadcast_in_dim3A_94 {strides = array<i32>} : memref<64x128xf32, #tpu.memory_space<vmem>>, vector<64x128xf32>,
    } else {
    }
    %get3A_77 = arith.constant 0 : index
    %get3A_78 = arith.constant 0 : index
    %get3A_79 = vector.load %arg7[%get3A_77, %get3A_78] : memref<1000x1xi32, #tpu.memory_space<vmem>>, vector<1000x1xi32>
    %iota3A = tpu.iota {dimensions = array<i32: 1>} : vector<1000x64xi32>
    %eq3A_80 = vector.broadcast %get3A_79 : vector<1000x1xi32> to vector<1000x64xi32>
    %eq3A_81 = arith.cmpi eq, %eq3A_80, %iota3A : vector<1000x64xi32>
    %convert_element_type3A_82 = arith.extui %eq3A_81 : vector<1000x64xi1> to vector<1000x64xi32>
    %convert_element_type3A_83 = arith.sitofp %convert_element_type3A_82 : vector<1000x64xi32> to vector<1000x64xf32>
    %get3A_84 = arith.constant 0 : index
    %get3A_85 = arith.constant 0 : index
    %get3A_86 = vector.load %arg9[%get3A_84, %get3A_85] : memref<64x128xf32, #tpu.memory_space<vmem>>, vector<64x128xf32>
    %dot_general3A_87 = arith.constant dense<0.000000e+00> : vector<64x128xf32>
    %dot_general3A_88 = tpu.matmul %convert_element_type3A_83, %select_n3A_71, %dot_general3A_87 {dimension_numbers = #tpu.dot_dimension_numbers<[0], [0], [1], [1], [0, 1, 1, 1], [], []>, precision = #tpu.contract_precision<fp32>, transpose_lhs_hint = false} : vector<1000x64xf32>, vector<1000x128xf32>, vector<64x128xf32> -> vector<64x128xf32>
    %add3A_89 = arith.addf %get3A_86, %dot_general3A_88 : vector<64x128xf32>
    %swap3A_90 = arith.constant 0 : index
    %swap3A_91 = arith.constant 0 : index
    %swap3A_92 = vector.load %arg9[%swap3A_90, %swap3A_91] : memref<64x128xf32, #tpu.memory_space<vmem>>, vector<64x128xf32>
    tpu.vector_store %arg9[%swap3A_90, %swap3A_91], %add3A_89 {strides = array<i32>} : memref<64x128xf32, #tpu.memory_space<vmem>>, vector<64x128xf32>,
    return
  }
  func.func @transform_0(%arg0: i32) -> (i32, i32, i32) {
    %c0_i32 = arith.constant 0 : i32
    %c0_i32_0 = arith.constant 0 : i32
    %c0_i32_1 = arith.constant 0 : i32
    return %c0_i32, %arg0, %c0_i32_0 : i32, i32, i32
  }
  func.func @transform_1(%arg0: i32) -> (i32, i32) {
    %c0_i32 = arith.constant 0 : i32
    %c0_i32_0 = arith.constant 0 : i32
    return %arg0, %c0_i32 : i32, i32
  }
  func.func @transform_2(%arg0: i32) -> (i32, i32, i32) {
    %c0_i32 = arith.constant 0 : i32
    %c0_i32_0 = arith.constant 0 : i32
    %c0_i32_1 = arith.constant 0 : i32
    return %c0_i32, %arg0, %c0_i32_0 : i32, i32, i32
  }
  func.func @transform_3(%arg0: i32) -> (i32, i32) {
    %c0_i32 = arith.constant 0 : i32
    %c0_i32_0 = arith.constant 0 : i32
    %c0_i32_1 = arith.constant 0 : i32
    return %c0_i32, %c0_i32_0 : i32, i32
  }
  func.func @transform_4(%arg0: i32) -> (i32, i32) {
    %c0_i32 = arith.constant 0 : i32
    %c0_i32_0 = arith.constant 0 : i32
    %c0_i32_1 = arith.constant 0 : i32
    return %c0_i32, %c0_i32_0 : i32, i32
  }
  func.func @transform_5(%arg0: i32) -> (i32, i32) {
    %c0_i32 = arith.constant 0 : i32
    %c0_i32_0 = arith.constant 0 : i32
    %c0_i32_1 = arith.constant 0 : i32
    return %c0_i32, %c0_i32_0 : i32, i32
  }
  func.func @transform_6(%arg0: i32) -> (i32, i32) {
    %c0_i32 = arith.constant 0 : i32
    %c0_i32_0 = arith.constant 0 : i32
    return %arg0, %c0_i32 : i32, i32
  }
  func.func @transform_7(%arg0: i32) -> (i32, i32) {
    %c0_i32 = arith.constant 0 : i32
    %c0_i32_0 = arith.constant 0 : i32
    return %arg0, %c0_i32 : i32, i32
  }
  func.func @transform_8(%arg0: i32) -> (i32, i32) {
    %c0_i32 = arith.constant 0 : i32
    %c0_i32_0 = arith.constant 0 : i32
    %c0_i32_1 = arith.constant 0 : i32
    return %c0_i32, %c0_i32_0 : i32, i32
  }
}

module attributes {stable_mosaic.version = 14 : i64} {
  func.func @_fin_body(%arg0: i32, %arg1: memref<1000x128xf32, #tpu.memory_space<vmem>>, %arg2: memref<1000x128xf32, #tpu.memory_space<vmem>>, %arg3: memref<1000x1xi32, #tpu.memory_space<vmem>>, %arg4: memref<64x128xf32, #tpu.memory_space<vmem>>, %arg5: memref<384x2xf32, #tpu.memory_space<vmem>>, %arg6: memref<1x2xf32, #tpu.memory_space<vmem>>, %arg7: memref<1000x2xf32, #tpu.memory_space<vmem>>) attributes {dimension_semantics = [#tpu.dimension_semantics<arbitrary>], iteration_bounds = array<i64: 10>, scalar_prefetch = 0 : i64, scratch_operands = 0 : i64, tpu.core_type = #tpu.core_type<tc>, window_params = [{transform_indices = @transform_0, window_bounds = array<i64: 1000, 128>}, {transform_indices = @transform_1, window_bounds = array<i64: 1000, 128>}, {transform_indices = @transform_2, window_bounds = array<i64: 1000, 1>}, {pipeline_mode = #tpu.pipeline_mode<synchronous>, transform_indices = @transform_3, window_bounds = array<i64: 64, 128>}, {pipeline_mode = #tpu.pipeline_mode<synchronous>, transform_indices = @transform_4, window_bounds = array<i64: 384, 2>}, {pipeline_mode = #tpu.pipeline_mode<synchronous>, transform_indices = @transform_5, window_bounds = array<i64: 1, 2>}, {transform_indices = @transform_6, window_bounds = array<i64: 1000, 2>}]} {
    %get3A = arith.constant 0 : index
    %get3A_0 = arith.constant 0 : index
    %get3A_1 = vector.load %arg3[%get3A, %get3A_0] : memref<1000x1xi32, #tpu.memory_space<vmem>>, vector<1000x1xi32>
    %iota3A = tpu.iota {dimensions = array<i32: 1>} : vector<1000x64xi32>
    %eq3A = vector.broadcast %get3A_1 : vector<1000x1xi32> to vector<1000x64xi32>
    %eq3A_2 = arith.cmpi eq, %eq3A, %iota3A : vector<1000x64xi32>
    %convert_element_type3A = arith.extui %eq3A_2 : vector<1000x64xi1> to vector<1000x64xi32>
    %convert_element_type3A_3 = arith.sitofp %convert_element_type3A : vector<1000x64xi32> to vector<1000x64xf32>
    %get3A_4 = arith.constant 0 : index
    %get3A_5 = arith.constant 0 : index
    %get3A_6 = vector.load %arg4[%get3A_4, %get3A_5] : memref<64x128xf32, #tpu.memory_space<vmem>>, vector<64x128xf32>
    %dot_general3A = arith.constant dense<0.000000e+00> : vector<1000x128xf32>
    %dot_general3A_7 = tpu.matmul %convert_element_type3A_3, %get3A_6, %dot_general3A {dimension_numbers = #tpu.dot_dimension_numbers<[1], [0], [0], [1], [0, 0, 1, 1], [], []>, precision = #tpu.contract_precision<fp32>, transpose_lhs_hint = false} : vector<1000x64xf32>, vector<64x128xf32>, vector<1000x128xf32> -> vector<1000x128xf32>
    %get3A_8 = arith.constant 0 : index
    %get3A_9 = arith.constant 0 : index
    %get3A_10 = vector.load %arg1[%get3A_8, %get3A_9] : memref<1000x128xf32, #tpu.memory_space<vmem>>, vector<1000x128xf32>
    %get3A_11 = arith.constant 0 : index
    %get3A_12 = arith.constant 0 : index
    %get3A_13 = vector.load %arg5[%get3A_11, %get3A_12] : memref<384x2xf32, #tpu.memory_space<vmem>>, vector<128x2xf32>
    %dot_general3A_14 = arith.constant dense<0.000000e+00> : vector<1000x2xf32>
    %dot_general3A_15 = tpu.matmul %get3A_10, %get3A_13, %dot_general3A_14 {dimension_numbers = #tpu.dot_dimension_numbers<[1], [0], [0], [1], [0, 0, 1, 1], [], []>, transpose_lhs_hint = false} : vector<1000x128xf32>, vector<128x2xf32>, vector<1000x2xf32> -> vector<1000x2xf32>
    %get3A_16 = arith.constant 0 : index
    %get3A_17 = arith.constant 0 : index
    %get3A_18 = vector.load %arg2[%get3A_16, %get3A_17] : memref<1000x128xf32, #tpu.memory_space<vmem>>, vector<1000x128xf32>
    %get3A_19 = arith.constant 128 : index
    %get3A_20 = arith.constant 0 : index
    %get3A_21 = vector.load %arg5[%get3A_19, %get3A_20] : memref<384x2xf32, #tpu.memory_space<vmem>>, vector<128x2xf32>
    %dot_general3A_22 = arith.constant dense<0.000000e+00> : vector<1000x2xf32>
    %dot_general3A_23 = tpu.matmul %get3A_18, %get3A_21, %dot_general3A_22 {dimension_numbers = #tpu.dot_dimension_numbers<[1], [0], [0], [1], [0, 0, 1, 1], [], []>, transpose_lhs_hint = false} : vector<1000x128xf32>, vector<128x2xf32>, vector<1000x2xf32> -> vector<1000x2xf32>
    %add3A = arith.addf %dot_general3A_15, %dot_general3A_23 : vector<1000x2xf32>
    %get3A_24 = arith.constant 256 : index
    %get3A_25 = arith.constant 0 : index
    %get3A_26 = vector.load %arg5[%get3A_24, %get3A_25] : memref<384x2xf32, #tpu.memory_space<vmem>>, vector<128x2xf32>
    %dot_general3A_27 = arith.constant dense<0.000000e+00> : vector<1000x2xf32>
    %dot_general3A_28 = tpu.matmul %dot_general3A_7, %get3A_26, %dot_general3A_27 {dimension_numbers = #tpu.dot_dimension_numbers<[1], [0], [0], [1], [0, 0, 1, 1], [], []>, transpose_lhs_hint = false} : vector<1000x128xf32>, vector<128x2xf32>, vector<1000x2xf32> -> vector<1000x2xf32>
    %add3A_29 = arith.addf %add3A, %dot_general3A_28 : vector<1000x2xf32>
    %get3A_30 = arith.constant 0 : index
    %get3A_31 = arith.constant 0 : index
    %get3A_32 = vector.load %arg6[%get3A_30, %get3A_31] : memref<1x2xf32, #tpu.memory_space<vmem>>, vector<1x2xf32>
    %add3A_33 = vector.broadcast %get3A_32 : vector<1x2xf32> to vector<1000x2xf32>
    %add3A_34 = arith.addf %add3A_29, %add3A_33 : vector<1000x2xf32>
    %reduce_max3A = arith.constant dense<0xFF800000> : vector<1000xf32>
    %reduce_max3A_35 = vector.multi_reduction <maximumf>, %add3A_34, %reduce_max3A [1] : vector<1000x2xf32> to vector<1000xf32>
    %broadcast_in_dim3A = vector.shape_cast %reduce_max3A_35 : vector<1000xf32> to vector<1000x1xf32>
    %sub3A = vector.broadcast %broadcast_in_dim3A : vector<1000x1xf32> to vector<1000x2xf32>
    %sub3A_36 = arith.subf %add3A_34, %sub3A : vector<1000x2xf32>
    %exp3A = math.exp %sub3A_36 : vector<1000x2xf32>
    %reduce_sum3A = arith.constant dense<0.000000e+00> : vector<1000xf32>
    %reduce_sum3A_37 = vector.multi_reduction <add>, %exp3A, %reduce_sum3A [1] : vector<1000x2xf32> to vector<1000xf32>
    %broadcast_in_dim3A_38 = vector.shape_cast %reduce_sum3A_37 : vector<1000xf32> to vector<1000x1xf32>
    %div3A = vector.broadcast %broadcast_in_dim3A_38 : vector<1000x1xf32> to vector<1000x2xf32>
    %div3A_39 = arith.divf %exp3A, %div3A : vector<1000x2xf32>
    %swap3A = arith.constant 0 : index
    %swap3A_40 = arith.constant 0 : index
    %swap3A_41 = vector.load %arg7[%swap3A, %swap3A_40] : memref<1000x2xf32, #tpu.memory_space<vmem>>, vector<1000x2xf32>
    tpu.vector_store %arg7[%swap3A, %swap3A_40], %div3A_39 {strides = array<i32>} : memref<1000x2xf32, #tpu.memory_space<vmem>>, vector<1000x2xf32>,
    return
  }
  func.func @transform_0(%arg0: i32) -> (i32, i32) {
    %c0_i32 = arith.constant 0 : i32
    %c0_i32_0 = arith.constant 0 : i32
    return %arg0, %c0_i32 : i32, i32
  }
  func.func @transform_1(%arg0: i32) -> (i32, i32) {
    %c0_i32 = arith.constant 0 : i32
    %c0_i32_0 = arith.constant 0 : i32
    return %arg0, %c0_i32 : i32, i32
  }
  func.func @transform_2(%arg0: i32) -> (i32, i32) {
    %c0_i32 = arith.constant 0 : i32
    %c0_i32_0 = arith.constant 0 : i32
    return %arg0, %c0_i32 : i32, i32
  }
  func.func @transform_3(%arg0: i32) -> (i32, i32) {
    %c0_i32 = arith.constant 0 : i32
    %c0_i32_0 = arith.constant 0 : i32
    %c0_i32_1 = arith.constant 0 : i32
    return %c0_i32, %c0_i32_0 : i32, i32
  }
  func.func @transform_4(%arg0: i32) -> (i32, i32) {
    %c0_i32 = arith.constant 0 : i32
    %c0_i32_0 = arith.constant 0 : i32
    %c0_i32_1 = arith.constant 0 : i32
    return %c0_i32, %c0_i32_0 : i32, i32
  }
  func.func @transform_5(%arg0: i32) -> (i32, i32) {
    %c0_i32 = arith.constant 0 : i32
    %c0_i32_0 = arith.constant 0 : i32
    %c0_i32_1 = arith.constant 0 : i32
    return %c0_i32, %c0_i32_0 : i32, i32
  }
  func.func @transform_6(%arg0: i32) -> (i32, i32) {
    %c0_i32 = arith.constant 0 : i32
    %c0_i32_0 = arith.constant 0 : i32
    return %arg0, %c0_i32 : i32, i32
  }
}

</mosaic_0001>

<sc_bundles>
// kernel: kernel.10.cloned.1.call-start
scs
__scs_entry_jumppad:
0x0: {  	(pc) =	sbr.rel $0x88, $3  }
0x1: {  	(tag) =	ssettag $0x0;
	lr =	simm.s32 $0x1  }
0x2: {  	[smem:$0x3F96] =	sst lr;
	_ =	strace $0xD0000000  }
0x3: {  	_ = 	snop  }
0x4: {  	_ = 	snop  }
0x5: {  	_ = 	snop  }
0x6: {  	_ = 	snop  }
0x7: {  	_ = 	snop  }
__scs_overlays_trampoline_lowered:
0x8: {  	[smem:$0x3FA5] =	sst s0  }
0x9: {  	[smem:$0x3FA6] =	sst s1  }
0xa: {  	[smem:$0x3FA7] =	sst s2  }
0xb: {  	[smem:$0x3FA8] =	sst s3  }
0xc: {  	[smem:$0x3FA9] =	sst s4  }
0xd: {  	[smem:$0x3FAA] =	sst s5  }
0xe: {  	[smem:$0x3FAB] =	sst s6  }
0xf: {  	[smem:$0x3FAC] =	sst s7  }
0x10: {  	[smem:$0x3FAD] =	sst s8  }
0x11: {  	[smem:$0x3FAE] =	sst s9;
	s0 =	simm.s32 @!p0 $0x0  }
0x12: {  	s1 =	sld [smem:$0x3F94];
	s0 =	simm.s32 @p0 $0x1  }
0x13: {  	[smem:$0x3FAF] =	sst s0;
	s0 =	simm.s32 @!p1 $0x0  }
0x14: {  	s2 =	sld [smem:$0x3F93];
	s0 =	simm.s32 @p1 $0x1  }
0x15: {  	[smem:$0x3FB0] =	sst s0;
	s0 =	simm.s32 @!p2 $0x0  }
0x16: {  	s3 =	sld [smem:$0x3FDB];
	s0 =	simm.s32 @p2 $0x1  }
0x17: {  	s4 =	simm.s32 $0x1BF5;
	[smem:$0x3FB2] =	sst s0  }
0x18: {  	s0 =	sld [smem:$0x3F95];
	_ =	swait.ge [sflag:s4], $0x0  }
0x19: {  	s7 =	sld [smem:$0x3F96]  }
0x1a: {  	s8 =	sadd.s32 $0xFFFFE003, lr  }
0x1b: {  	s9 =	sadd.s32 $0xFFFFFEF7, lr;
	s5 =	simm.s32 $0xFFFFFFFF;
	p2 =	slt.u32 s8, $0xFFFFF086  }
0x1c: {  	p1 =	slt.u32 s9, $0xF7A;
	s5 =	simm.s32 @!p2 $0x0  }
0x1d: {  	s5 =	simm.s32 @p1 $0x1;
	p0 =	seq.s32 s7, s2  }
0x1e: {  	s7 =	smul.u32 @!p0 $0xF7A, s2;
	p2 =	seq.s32 @!p0 s5, $0x0  }
0x1f: {  	s9 =	smul.u32 $0xF7A, s1;
	s8 =	simm.s32 @!p0 $0x1BF5;
	p2 =	por !p2, p0  }
0x20: {  	[sflag:s8] =	ssyncset.s32 @!p0 $0xFFFFF086;
	s6 =	sadd.s32 @!p0 s3, s7;
	s7 =	simm.s32 @!p0 $0x108  }
0x21: {  	s3 =	sadd.s32 s3, s9;
	s6 =	sadd.s32 @!p0 $0x88, s6;
	s7 =	simm.s32 @p2 $0x1082  }
0x22: {  	[simem:s7], [sflag:s8] =	dma.local @!p0 [hbm:s6], $0xF7A  }
0x23: {  	s9 =	sor.u32 $0xD0000000, s2;
	s6 =	simm.s32 $0x108;
	_ =	swait.ge @!p0 [sflag:s8], $0x0  }
0x24: {  	s3 =	sadd.s32 $0x88, s3;
	s6 =	simm.s32 @!p1 $0x1082;
	[sflag:s4] =	ssyncset.s32 $0xFFFFF086  }
0x25: {  	[simem:s6], [sflag:s4] =	dma.local [hbm:s3], $0xF7A  }
0x26: {  	[smem:$0x3F96] =	sst s1;
	(tag) =	ssettag s2;
	_ =	strace s9  }
0x27: {  	s1 =	sld [smem:$0x3FA6]  }
0x28: {  	s2 =	sld [smem:$0x3FA7]  }
0x29: {  	s4 =	sld [smem:$0x3FA9]  }
0x2a: {  	p0 =	seq.s32 s5, $0x0;
	s5 =	sld [smem:$0x3FAA]  }
0x2b: {  	s6 =	sld [smem:$0x3FAB]  }
0x2c: {  	s7 =	sld [smem:$0x3FAC]  }
0x2d: {  	s3 =	simm.s32 $0x108;
	s8 =	sld [smem:$0x3FAD]  }
0x2e: {  	s3 =	simm.s32 @!p0 $0x1082;
	s9 =	sld [smem:$0x3FAE]  }
0x2f: {  	lr =	sadd.s32 s0, s3;
	s0 =	sld [smem:$0x3FA5]  }
0x30: {  	s3 =	sld [smem:$0x3FA8]  }
0x31: {  	[smem:$0x3FB1] =	sst s10  }
0x32: {  	s10 =	sld [smem:$0x3FAF];
	_ =	sdelay $0x3  }
0x33: {  	p0 =	seq.s32 s10, $0x1;
	s10 =	sld [smem:$0x3FB1];
	_ =	sdelay $0x3  }
0x34: {  	[smem:$0x3FB1] =	sst s10  }
0x35: {  	s10 =	sld [smem:$0x3FB0];
	_ =	sdelay $0x3  }
0x36: {  	p1 =	seq.s32 s10, $0x1;
	s10 =	sld [smem:$0x3FB1];
	_ =	sdelay $0x3  }
0x37: {  	[smem:$0x3FB1] =	sst s10  }
0x38: {  	s10 =	sld [smem:$0x3FB2]  }
0x39: {  	_ = 	snop;
	(pc) =	sbr.ind lr, $3  }
0x3a: {  	_ = 	snop  }
0x3b: {  	_ = 	snop  }
0x3c: {  	p2 =	seq.s32 s10, $0x1;
	s10 =	sld [smem:$0x3FB1]  }
0x3d: {  	_ =	shalt  }
0x3e: {  	_ =	shalt  }
0x3f: {  	_ =	shalt  }
0x40: {  	_ =	shalt  }
0x41: {  	_ =	shalt  }
0x42: {  	_ =	shalt  }
0x43: {  	_ =	shalt  }
0x44: {  	_ =	shalt  }
0x45: {  	_ =	shalt  }
0x46: {  	_ =	shalt  }
0x47: {  	_ =	shalt  }
0x48: {  	_ =	shalt  }
0x49: {  	_ =	shalt  }
0x4a: {  	_ =	shalt  }
0x4b: {  	_ =	shalt  }
0x4c: {  	_ =	shalt  }
0x4d: {  	_ =	shalt  }
0x4e: {  	_ =	shalt  }
0x4f: {  	_ =	shalt  }
0x50: {  	_ =	shalt  }
0x51: {  	_ =	shalt  }
0x52: {  	_ =	shalt  }
0x53: {  	_ =	shalt  }
0x54: {  	_ =	shalt  }
0x55: {  	_ =	shalt  }
0x56: {  	_ =	shalt  }
0x57: {  	_ =	shalt  }
0x58: {  	_ =	shalt  }
0x59: {  	_ =	shalt  }
0x5a: {  	_ =	shalt  }
0x5b: {  	_ =	shalt  }
0x5c: {  	_ =	shalt  }
0x5d: {  	_ =	shalt  }
0x5e: {  	_ =	shalt  }
0x5f: {  	_ =	shalt  }
0x60: {  	_ =	shalt  }
0x61: {  	_ =	shalt  }
0x62: {  	_ =	shalt  }
0x63: {  	_ =	shalt  }
0x64: {  	_ =	shalt  }
0x65: {  	_ =	shalt  }
0x66: {  	_ =	shalt  }
0x67: {  	_ =	shalt  }
0x68: {  	_ =	shalt  }
0x69: {  	_ =	shalt  }
0x6a: {  	_ =	shalt  }
0x6b: {  	_ =	shalt  }
0x6c: {  	_ =	shalt  }
0x6d: {  	_ =	shalt  }
0x6e: {  	_ =	shalt  }
0x6f: {  	_ =	shalt  }
0x70: {  	_ =	shalt  }
0x71: {  	_ =	shalt  }
0x72: {  	_ =	shalt  }
0x73: {  	_ =	shalt  }
0x74: {  	_ =	shalt  }
0x75: {  	_ =	shalt  }
0x76: {  	_ =	shalt  }
0x77: {  	_ =	shalt  }
0x78: {  	_ =	shalt  }
0x79: {  	_ =	shalt  }
0x7a: {  	_ =	shalt  }
0x7b: {  	_ =	shalt  }
0x7c: {  	_ =	shalt  }
0x7d: {  	_ =	shalt  }
0x7e: {  	_ =	shalt  }
0x7f: {  	_ =	shalt  }
0x80: {  	_ =	shalt  }
0x81: {  	_ =	shalt  }
0x82: {  	_ =	shalt  }
0x83: {  	_ =	shalt  }
0x84: {  	_ =	shalt  }
0x85: {  	_ =	shalt  }
0x86: {  	_ =	shalt  }
0x87: {  	_ =	shalt  }
.Lfunc_end0:
.L_simem_size_0:
called_computation.1_lowered:
.L_overlay_start_0:
0x88: {  	s2 =	sld [smem:$0x3FD9]  }
0x89: {  	s3 =	sld [smem:$0x3FFE];
	_ =	sdelay $0x1  }
0x8a: {  	s1 =	srdreg.scid  }
0x8b: {  	s0 =	sand.u32 $0x1, s1  }
0x8c: {  	s16 =	sshll.u32 s0, $0xA;
	s2 =	sadd.s32 s3, s2  }
0x8d: {  	s2 =	sadd.s32 s2, s16  }
0x8e: {  	[smem:$0x3FBD] =	sst s2  }
0x8f: {  	_ = 	snop  }
0x90: {  	(tm) =	ssettm $0x1  }
0x91: {  	s17 =	sld [smem:$0x3FFB];
	_ =	sdelay $0x3  }
0x92: {  	_ =	strace s17  }
0x93: {  	s2 =	sld [smem:$0x3FFC];
	_ =	sdelay $0x3  }
0x94: {  	_ =	strace s2  }
0x95: {  	s2 =	sld [smem:$0x3FFD];
	_ =	sdelay $0x3  }
0x96: {  	_ =	strace s2  }
0x97: {  	_ =	strace $0x8FFFFFFF  }
0x98: {  	s18 =	sld [smem:$0x3FDB];
	_ =	sdelay $0x1  }
0x99: {  	s19 =	simm.s32 $_scs_section_size  }
0x9a: {  	s4 =	simm.s32 $_size__tile_overlayer_lowered;
	s5 =	simm.s32 $_tile_overlayer_lowered  }
0x9b: {  	s22 =	simm.s32 $0x1BFF;
	s21 =	sshll.u32 s5, $0x1;
	s2 =	sadd.s32 s19, s18  }
0x9c: {  	s6 =	simm.s32 $0x0;
	s20 =	sshll.u32 s4, $0x1;
	s4 =	sadd.s32 s21, s2  }
0x9d: {  	[timem:s6], [sflag:s22] =	dma.local [hbm:s4], s20  }
0x9e: {  	_ =	swait.ge [sflag:s22], s20  }
0x9f: {  	s3 =	ssub.s32 $0x0, s20;
	[sflag:s22] =	ssyncset.done $0x0  }
0xa0: {  	[sflag:s22] =	ssyncadd.s32 s3;
	_ =	sdelay $0x1  }
0xa1: {  	s23 =	simm.s32 $0x1B8B  }
0xa2: {  	_ =	swait.ge [sflag:s23], $0x1  }
0xa3: {  	[sflag:s23] =	ssyncset.done $0x0  }
0xa4: {  	s25 =	simm.s32 $0x1B8E;
	s24 =	sld [smem:$0x3FFE];
	[sflag:s23] =	ssyncadd.s32 $0xFFFFFFFF  }
0xa5: {  	s26 =	simm.s32 $execute0_lowered;
	[smem:$0x3FD2] =	sst s25  }
0xa6: {  	s4 =	sshll.u32 s26, $0x1;
	_ =	strace $0x80000049;
	[dreg:$0x1] =	wrdreg $0xFFFFFFFF  }
0xa7: {  	s28 =	simm.s32 $_size_execute0_lowered;
	s2 =	sadd.s32 s2, s4;
	[dreg:$0x0] =	wrdreg $0x0  }
0xa8: {  	s4 =	sshll.u32 s28, $0x1;
	[dreg:$0x2] =	wrdreg s2  }
0xa9: {  	[dreg:$0x3] =	wrdreg s4  }
0xaa: {  	[dreg:$0x4] =	wrdreg $0xC0  }
0xab: {  	_ =	task [dreg:s6], $0x5FFFF  }
0xac: {  	[dreg:$0x1] =	wrdreg $0xFFFFFFFF  }
0xad: {  	[dreg:$0x0] =	wrdreg $0x60  }
0xae: {  	[dreg:$0x2] =	wrdreg s24  }
0xaf: {  	[dreg:$0x3] =	wrdreg $0xA8000  }
0xb0: {  	[dreg:$0x4] =	wrdreg $0x9  }
0xb1: {  	_ =	task.clear_ibuf [dreg:s6], $0x5FFFF;
	_ =	strace $0x90000049  }
0xb2: {  	s29 =	simm.s32 $0x9;
	_ =	strace $0x8000004B  }
0xb3: {  	_ =	swait.ge [sflag:s29], $0x1  }
0xb4: {  	[sflag:s29] =	ssyncadd.s32 $0xFFFFFFFF  }
0xb5: {  	_ =	strace $0x9000004B  }
0xb6: {  	_ =	sfence  }
0xb7: {  	s30 =	sld [smem:$0x0];
	_ =	sdelay $0x2  }
0xb8: {  	s31 =	sshll.u32 s1, $0xD;
	s1 =	sshrl.u32 s1, $0x2  }
0xb9: {  	s3 =	sand.u32 $0x4000, s31;
	s1 =	sadd.s32 s1, s30  }
0xba: {  	s0 =	sor.u32 s3, s0;
	s1 =	sshll.u32 s1, $0x11  }
0xbb: {  	s0 =	sor.u32 s1, s0  }
0xbc: {  	s0 =	sadd.s32 $0x8F2B, s0  }
0xbd: {  	[sflag:s0] =	ssyncadd.remote.s32 $0x1  }
0xbe: {  	_ =	sfence.sel $0xFFFF  }
0xbf: {  	[dreg:$0x0] =	wrdreg $0xFFFFFFFF;
	(pc) =	sbr.abs _section_cstart, $3  }
0xc0: {  	[dreg:$0x1] =	wrdreg $0xFFFFFFFF  }
0xc1: {  	_ =	task.clear_ibuf [dreg:s6], $0x2FFFF;
	_ =	strace $0x9FFFFFFF  }
0xc2: {  	(tm) =	ssettm $0x7FFFFFFF  }
0xc3: {  	_ =	shalt  }
tec
execute0_lowered:
.L_overlay_start_1:
0x0: {  	(tag) =	ssettag $0x1  }
0x1: {  	s5 =	rddreg [dreg:$0x0]  }
0x2: {  	s2 =	rddreg [dreg:$0x1]  }
0x3: {  	s0 =	rddreg [dreg:$0x2]  }
0x4: {  	s1 =	stileid.u32;
	s4 =	srdreg.scid  }
0x5: {  	s3 =	simm.s32 $0x0;
	s13 =	simm.s32 $0x4000;
	s14 =	simm.s32 $0x50  }
0x6: {  	s15 =	simm.s32 $0x8000;
	s16 =	simm.s32 $0x1;
	s17 =	simm.s32 $0x0  }
0x7: {  	s6 =	smul.u32 $0x13C00, s1;
	s7 =	sand.u32 $0x1, s4;
	[smem:$0x7FF] =	sst s3  }
0x8: {  	s8 =	sshll.u32 s1, $0xC;
	s4 =	sadd.s32 $0x49800, s5;
	s24 =	smul.u32 $0x4F000, s1  }
0x9: {  	s31 =	sshll.u32 s1, $0x6;
	s9 =	smul.u32 $0x13C000, s7;
	_ =	strace $0x8000004A  }
0xa: {  	s8 =	sadd.s32 s8, s5;
	s11 =	ssub.s32 $0x2, s7;
	s30 =	sshll.u32 s7, $0x10  }
0xb: {  	s10 =	sshrl.u32 s6, $0x3;
	s25 =	sshrl.u32 s11, $0x1;
	s26 =	sshrl.u32 s24, $0x2  }
0xc: {  	s8 =	sadd.s32 s30, s8;
	s6 =	sadd.s32 s6, s9;
	s10 =	sadd.s32 s10, s5  }
0xd: {  	s28 =	ssub.s32 s11, s25;
	s29 =	sadd.s32 s26, s2;
	s7 =	sadd.s32 $0x2000, s8  }
0xe: {  	s11 =	simm.s32 $0x2;
	s6 =	sshrl.u32 s6, $0x3;
	s9 =	smax.u32 s28, $0x1  }
0xf: {  	s12 =	sadd.s32 s6, s5;
	s5 =	sadd.s32 $0x22000, s10;
	s6 =	sor.u32 $0x1C02, s31  }
0x10: {  	s10 =	sshrl.u32 s29, $0x3;
	s8 =	sadd.s32 $0xE7800, s12;
	s12 =	sadd.s32 $0x800, s7  }
.LBB2_1:
0x11: {  	[spmem:s10], [sflag:s6] =	dma.local [hbm:s5], $0x2780  }
0x12: {  	_ =	swait.ge [sflag:s11], $0x2780  }
0x13: {  	[sflag:s11] =	ssyncset.done $0x0  }
0x14: {  	[sflag:s11] =	ssyncadd.s32 $0xFFFFD880  }
0x15: {  	[tilespmem:s3], [sflag:$0x2] =	stream.linear.gather [hbm4b:s7+s3], $0x3E80, $0x38;
	[tilespmem:$0x1E400] =	vst v63  }
0x16: {  	_ = 	snop  }
0x17: {  	[tilespmem:s13], [sflag:$0x2] =	stream.linear.gather [hbm4b:s12+s3], $0x3E80, $0x38;
	[tilespmem:$0x1E400] =	vst v63  }
0x18: {  	_ =	swait.ge [sflag:s11], $0x7D00  }
0x19: {  	[sflag:s11] =	ssyncset.done $0x0  }
0x1a: {  	[sflag:s11] =	ssyncadd.s32 $0xFFFF8300  }
0x1b: {  	s18 =	simm.s32 $0x0;
	[bflag:$0x0] =	sbarrier.arrive $0xFFFF  }
0x1c: {  	[tilespmem:s15], [sflag:$0x1] =	stream.indirect.gather [hbm4b:s4+s14], $0x80, s18, s14, $0xb8;
	[tilespmem:$0x1E400] =	vst v63  }
0x1d: {  	_ =	swait.ge [sflag:s16], $0x2800  }
0x1e: {  	[sflag:s16] =	ssyncset.done $0x0  }
0x1f: {  	s31 =	simm.s32 $0x4000;
	[sflag:s16] =	ssyncadd.s32 $0xFFFFD800  }
0x20: {  	[spmem:s2] =	stream.indirect.scatter.add.f32 [tilespmem:s15], [sflag:$0x2], $0x80, s31, s14, $0xb8;
	[tilespmem:$0x1E400] =	vst v63  }
0x21: {  	_ =	swait.ge [sflag:s11], $0x2800  }
0x22: {  	s19 =	simm.s32 $0x400;
	s18 =	simm.s32 $0x200;
	[sflag:s11] =	ssyncset.done $0x0  }
.LBB2_2:
0x23: {  	s20 =	sshra.s32 s18, $0x2  }
0x24: {  	[sflag:s11] =	ssyncadd.s32 $0xFFFFD800;
	s18 =	smov.u32 s19;
	s21 =	sadd.s32 $0x200, s19  }
0x25: {  	[tilespmem:s15], [sflag:$0x1] =	stream.indirect.gather [hbm4b:s4+s14], $0x80, s20, s14, $0xb8;
	[tilespmem:$0x1E400] =	vst v63  }
0x26: {  	p0 =	sne.s32 s19, $0xF800;
	_ =	swait.ge [sflag:s16], $0x2800  }
.Ltmp0:
0x27: {  	[sflag:s16] =	ssyncset.done $0x0;
	(pc) =	sbr.rel @p0 .LBB2_2-.Ltmp0, $4  }
0x28: {  	s19 =	sadd.s32 $0x4000, s20;
	[sflag:s16] =	ssyncadd.s32 $0xFFFFD800  }
0x29: {  	[spmem:s2] =	stream.indirect.scatter.add.f32 [tilespmem:s15], [sflag:$0x2], $0x80, s19, s14, $0xb8;
	[tilespmem:$0x1E400] =	vst v63  }
0x2a: {  	_ =	swait.ge [sflag:s11], $0x2800  }
0x2b: {  	s19 =	smov.u32 s21;
	[sflag:s11] =	ssyncset.done $0x0  }
0x2c: {  	s18 =	sshra.s32 s18, $0x2;
	[sflag:s11] =	ssyncadd.s32 $0xFFFFD800  }
0x2d: {  	[tilespmem:s15], [sflag:$0x1] =	stream.indirect.gather [hbm4b:s4+s14], $0x80, s18, s14, $0xb8;
	[tilespmem:$0x1E400] =	vst v63  }
0x2e: {  	_ =	swait.ge [sflag:s16], $0x2800  }
0x2f: {  	[sflag:s16] =	ssyncset.done $0x0  }
0x30: {  	s18 =	sadd.s32 $0x4000, s18;
	[sflag:s16] =	ssyncadd.s32 $0xFFFFD800  }
0x31: {  	[spmem:s2] =	stream.indirect.scatter.add.f32 [tilespmem:s15], [sflag:$0x2], $0x80, s18, s14, $0xb8;
	[tilespmem:$0x1E400] =	vst v63  }
0x32: {  	_ =	swait.ge [sflag:s11], $0x2800  }
0x33: {  	s17 =	sadd.s32 $0x1, s17;
	[sflag:s11] =	ssyncset.done $0x0  }
0x34: {  	p0 =	sne.s32 s17, s9;
	[sflag:s11] =	ssyncadd.s32 $0xFFFFD800  }
.Ltmp1:
0x35: {  	[bflag:$0x0] =	sbarrier.arrive $0xFFFF;
	(pc) =	sbr.rel @p0 .LBB2_1-.Ltmp1, $4  }
0x36: {  	[hbm:s8], [sflag:s6] =	dma.local [spmem:s10], $0x2780  }
0x37: {  	_ =	swait.ge [sflag:s11], $0x2780  }
0x38: {  	[sflag:s11] =	ssyncset.done $0x0  }
0x39: {  	[sflag:s11] =	ssyncadd.s32 $0xFFFFD880  }
0x3a: {  	_ =	sfence.sel $0x180000  }
0x3b: {  	[bflag:$0x0] =	sbarrier.arrive $0xFFFF  }
0x3c: {  	p0 =	sne.s32 s1, $0x0;
	_ =	strace $0x9000004A  }
0x3d: {  	s0 =	sadd.s32 @!p0 $0x100000, s0;
	[bflag:$0x2] =	sbarrier.arrive $0xFFFF  }
0x3e: {  	[sflag:s0] =	ssyncadd.tile.s32 @!p0 $0x1;
	_ =	shalt  }
.Lfunc_end2:
_tile_overlayer_lowered:
.L_overlay_start_2:
0x3f: {  	(tag) =	ssettag $0x2  }
0x40: {  	s0 =	rddreg [dreg:$0x0];
	s2 =	stileid.u32  }
0x41: {  	s1 =	rddreg [dreg:$0x1];
	p0 =	sne.s32 s2, $0x0  }
0x42: {  	s3 =	rddreg [dreg:$0x2];
	[bflag:$0x3] =	sbarrier.arrive $0xFFFF;
	s2 =	simm.s32 @!p0 $0x1C02  }
0x43: {  	[timem:s3], [sflag:s2] =	dma.local @!p0 [hbm:s0], s1  }
0x44: {  	s0 =	simm.s32 @!p0 $0x2  }
0x45: {  	_ =	swait.ge @!p0 [sflag:s0], s1  }
0x46: {  	s1 =	ssub.s32 @!p0 $0x0, s1;
	[sflag:s0] =	ssyncset.done @!p0 $0x0  }
0x47: {  	[sflag:s0] =	ssyncadd.s32 @!p0 s1  }
0x48: {  	[bflag:$0x3] =	sbarrier.arrive $0xFFFF  }
0x49: {  	_ =	shalt  }

// kernel: kernel.7.cloned.1.call-start
scs
__scs_entry_jumppad:
0x0: {  	(pc) =	sbr.rel $0x88, $3  }
0x1: {  	(tag) =	ssettag $0x0;
	lr =	simm.s32 $0x1  }
0x2: {  	[smem:$0x3F96] =	sst lr;
	_ =	strace $0xD0000000  }
0x3: {  	_ = 	snop  }
0x4: {  	_ = 	snop  }
0x5: {  	_ = 	snop  }
0x6: {  	_ = 	snop  }
0x7: {  	_ = 	snop  }
__scs_overlays_trampoline_lowered:
0x8: {  	[smem:$0x3FA5] =	sst s0  }
0x9: {  	[smem:$0x3FA6] =	sst s1  }
0xa: {  	[smem:$0x3FA7] =	sst s2  }
0xb: {  	[smem:$0x3FA8] =	sst s3  }
0xc: {  	[smem:$0x3FA9] =	sst s4  }
0xd: {  	[smem:$0x3FAA] =	sst s5  }
0xe: {  	[smem:$0x3FAB] =	sst s6  }
0xf: {  	[smem:$0x3FAC] =	sst s7  }
0x10: {  	[smem:$0x3FAD] =	sst s8  }
0x11: {  	[smem:$0x3FAE] =	sst s9;
	s0 =	simm.s32 @!p0 $0x0  }
0x12: {  	s1 =	sld [smem:$0x3F94];
	s0 =	simm.s32 @p0 $0x1  }
0x13: {  	[smem:$0x3FAF] =	sst s0;
	s0 =	simm.s32 @!p1 $0x0  }
0x14: {  	s2 =	sld [smem:$0x3F93];
	s0 =	simm.s32 @p1 $0x1  }
0x15: {  	[smem:$0x3FB0] =	sst s0;
	s0 =	simm.s32 @!p2 $0x0  }
0x16: {  	s3 =	sld [smem:$0x3FDB];
	s0 =	simm.s32 @p2 $0x1  }
0x17: {  	s4 =	simm.s32 $0x1BF5;
	[smem:$0x3FB2] =	sst s0  }
0x18: {  	s0 =	sld [smem:$0x3F95];
	_ =	swait.ge [sflag:s4], $0x0  }
0x19: {  	s7 =	sld [smem:$0x3F96]  }
0x1a: {  	s8 =	sadd.s32 $0xFFFFE003, lr  }
0x1b: {  	s9 =	sadd.s32 $0xFFFFFEF7, lr;
	s5 =	simm.s32 $0xFFFFFFFF;
	p2 =	slt.u32 s8, $0xFFFFF086  }
0x1c: {  	p1 =	slt.u32 s9, $0xF7A;
	s5 =	simm.s32 @!p2 $0x0  }
0x1d: {  	s5 =	simm.s32 @p1 $0x1;
	p0 =	seq.s32 s7, s2  }
0x1e: {  	s7 =	smul.u32 @!p0 $0xF7A, s2;
	p2 =	seq.s32 @!p0 s5, $0x0  }
0x1f: {  	s9 =	smul.u32 $0xF7A, s1;
	s8 =	simm.s32 @!p0 $0x1BF5;
	p2 =	por !p2, p0  }
0x20: {  	[sflag:s8] =	ssyncset.s32 @!p0 $0xFFFFF086;
	s6 =	sadd.s32 @!p0 s3, s7;
	s7 =	simm.s32 @!p0 $0x108  }
0x21: {  	s3 =	sadd.s32 s3, s9;
	s6 =	sadd.s32 @!p0 $0x88, s6;
	s7 =	simm.s32 @p2 $0x1082  }
0x22: {  	[simem:s7], [sflag:s8] =	dma.local @!p0 [hbm:s6], $0xF7A  }
0x23: {  	s9 =	sor.u32 $0xD0000000, s2;
	s6 =	simm.s32 $0x108;
	_ =	swait.ge @!p0 [sflag:s8], $0x0  }
0x24: {  	s3 =	sadd.s32 $0x88, s3;
	s6 =	simm.s32 @!p1 $0x1082;
	[sflag:s4] =	ssyncset.s32 $0xFFFFF086  }
0x25: {  	[simem:s6], [sflag:s4] =	dma.local [hbm:s3], $0xF7A  }
0x26: {  	[smem:$0x3F96] =	sst s1;
	(tag) =	ssettag s2;
	_ =	strace s9  }
0x27: {  	s1 =	sld [smem:$0x3FA6]  }
0x28: {  	s2 =	sld [smem:$0x3FA7]  }
0x29: {  	s4 =	sld [smem:$0x3FA9]  }
0x2a: {  	p0 =	seq.s32 s5, $0x0;
	s5 =	sld [smem:$0x3FAA]  }
0x2b: {  	s6 =	sld [smem:$0x3FAB]  }
0x2c: {  	s7 =	sld [smem:$0x3FAC]  }
0x2d: {  	s3 =	simm.s32 $0x108;
	s8 =	sld [smem:$0x3FAD]  }
0x2e: {  	s3 =	simm.s32 @!p0 $0x1082;
	s9 =	sld [smem:$0x3FAE]  }
0x2f: {  	lr =	sadd.s32 s0, s3;
	s0 =	sld [smem:$0x3FA5]  }
0x30: {  	s3 =	sld [smem:$0x3FA8]  }
0x31: {  	[smem:$0x3FB1] =	sst s10  }
0x32: {  	s10 =	sld [smem:$0x3FAF];
	_ =	sdelay $0x3  }
0x33: {  	p0 =	seq.s32 s10, $0x1;
	s10 =	sld [smem:$0x3FB1];
	_ =	sdelay $0x3  }
0x34: {  	[smem:$0x3FB1] =	sst s10  }
0x35: {  	s10 =	sld [smem:$0x3FB0];
	_ =	sdelay $0x3  }
0x36: {  	p1 =	seq.s32 s10, $0x1;
	s10 =	sld [smem:$0x3FB1];
	_ =	sdelay $0x3  }
0x37: {  	[smem:$0x3FB1] =	sst s10  }
0x38: {  	s10 =	sld [smem:$0x3FB2]  }
0x39: {  	_ = 	snop;
	(pc) =	sbr.ind lr, $3  }
0x3a: {  	_ = 	snop  }
0x3b: {  	_ = 	snop  }
0x3c: {  	p2 =	seq.s32 s10, $0x1;
	s10 =	sld [smem:$0x3FB1]  }
0x3d: {  	_ =	shalt  }
0x3e: {  	_ =	shalt  }
0x3f: {  	_ =	shalt  }
0x40: {  	_ =	shalt  }
0x41: {  	_ =	shalt  }
0x42: {  	_ =	shalt  }
0x43: {  	_ =	shalt  }
0x44: {  	_ =	shalt  }
0x45: {  	_ =	shalt  }
0x46: {  	_ =	shalt  }
0x47: {  	_ =	shalt  }
0x48: {  	_ =	shalt  }
0x49: {  	_ =	shalt  }
0x4a: {  	_ =	shalt  }
0x4b: {  	_ =	shalt  }
0x4c: {  	_ =	shalt  }
0x4d: {  	_ =	shalt  }
0x4e: {  	_ =	shalt  }
0x4f: {  	_ =	shalt  }
0x50: {  	_ =	shalt  }
0x51: {  	_ =	shalt  }
0x52: {  	_ =	shalt  }
0x53: {  	_ =	shalt  }
0x54: {  	_ =	shalt  }
0x55: {  	_ =	shalt  }
0x56: {  	_ =	shalt  }
0x57: {  	_ =	shalt  }
0x58: {  	_ =	shalt  }
0x59: {  	_ =	shalt  }
0x5a: {  	_ =	shalt  }
0x5b: {  	_ =	shalt  }
0x5c: {  	_ =	shalt  }
0x5d: {  	_ =	shalt  }
0x5e: {  	_ =	shalt  }
0x5f: {  	_ =	shalt  }
0x60: {  	_ =	shalt  }
0x61: {  	_ =	shalt  }
0x62: {  	_ =	shalt  }
0x63: {  	_ =	shalt  }
0x64: {  	_ =	shalt  }
0x65: {  	_ =	shalt  }
0x66: {  	_ =	shalt  }
0x67: {  	_ =	shalt  }
0x68: {  	_ =	shalt  }
0x69: {  	_ =	shalt  }
0x6a: {  	_ =	shalt  }
0x6b: {  	_ =	shalt  }
0x6c: {  	_ =	shalt  }
0x6d: {  	_ =	shalt  }
0x6e: {  	_ =	shalt  }
0x6f: {  	_ =	shalt  }
0x70: {  	_ =	shalt  }
0x71: {  	_ =	shalt  }
0x72: {  	_ =	shalt  }
0x73: {  	_ =	shalt  }
0x74: {  	_ =	shalt  }
0x75: {  	_ =	shalt  }
0x76: {  	_ =	shalt  }
0x77: {  	_ =	shalt  }
0x78: {  	_ =	shalt  }
0x79: {  	_ =	shalt  }
0x7a: {  	_ =	shalt  }
0x7b: {  	_ =	shalt  }
0x7c: {  	_ =	shalt  }
0x7d: {  	_ =	shalt  }
0x7e: {  	_ =	shalt  }
0x7f: {  	_ =	shalt  }
0x80: {  	_ =	shalt  }
0x81: {  	_ =	shalt  }
0x82: {  	_ =	shalt  }
0x83: {  	_ =	shalt  }
0x84: {  	_ =	shalt  }
0x85: {  	_ =	shalt  }
0x86: {  	_ =	shalt  }
0x87: {  	_ =	shalt  }
.Lfunc_end0:
.L_simem_size_0:
called_computation_lowered:
.L_overlay_start_0:
0x88: {  	s2 =	sld [smem:$0x3FD9]  }
0x89: {  	s3 =	sld [smem:$0x3FFE];
	_ =	sdelay $0x1  }
0x8a: {  	s1 =	srdreg.scid  }
0x8b: {  	s0 =	sand.u32 $0x1, s1  }
0x8c: {  	s17 =	sshll.u32 s0, $0xA;
	s2 =	sadd.s32 s3, s2  }
0x8d: {  	s2 =	sadd.s32 s2, s17  }
0x8e: {  	[smem:$0x3FBD] =	sst s2  }
0x8f: {  	_ = 	snop  }
0x90: {  	s2 =	sld [smem:$0x3FC9]  }
0x91: {  	s18 =	sld [smem:$0x3FD0];
	(tm) =	ssettm $0x1  }
0x92: {  	s4 =	sld [smem:$0x3FFB];
	_ =	sdelay $0x3  }
0x93: {  	_ =	strace s4  }
0x94: {  	s4 =	sld [smem:$0x3FFC];
	_ =	sdelay $0x3  }
0x95: {  	_ =	strace s4  }
0x96: {  	s4 =	sld [smem:$0x3FFD];
	_ =	sdelay $0x3  }
0x97: {  	_ =	strace s4  }
0x98: {  	_ =	strace $0x8FFFFFFF  }
0x99: {  	s19 =	sld [smem:$0x3FDB];
	_ =	sdelay $0x1  }
0x9a: {  	s5 =	simm.s32 $_scs_section_size  }
0x9b: {  	s6 =	simm.s32 $_size__tile_overlayer_lowered;
	s7 =	simm.s32 $_tile_overlayer_lowered  }
0x9c: {  	s22 =	simm.s32 $0x1BFF;
	s21 =	sshll.u32 s7, $0x1;
	s4 =	sadd.s32 s5, s19  }
0x9d: {  	s8 =	simm.s32 $0x0;
	s20 =	sshll.u32 s6, $0x1;
	s6 =	sadd.s32 s21, s4  }
0x9e: {  	[timem:s8], [sflag:s22] =	dma.local [hbm:s6], s20  }
0x9f: {  	_ =	swait.ge [sflag:s22], s20  }
0xa0: {  	s5 =	ssub.s32 $0x0, s20;
	[sflag:s22] =	ssyncset.done $0x0  }
0xa1: {  	[sflag:s22] =	ssyncadd.s32 s5;
	_ =	sdelay $0x1  }
0xa2: {  	s23 =	simm.s32 $0x1B8B  }
0xa3: {  	_ =	swait.ge [sflag:s23], $0x1  }
0xa4: {  	[sflag:s23] =	ssyncset.done $0x0  }
0xa5: {  	s25 =	simm.s32 $0x1B8E;
	s24 =	sld [smem:$0x3FFE];
	[sflag:s23] =	ssyncadd.s32 $0xFFFFFFFF  }
0xa6: {  	s26 =	simm.s32 $execute0_lowered;
	[smem:$0x3FD2] =	sst s25  }
0xa7: {  	s6 =	sshll.u32 s26, $0x1;
	_ =	strace $0x80000046;
	[dreg:$0x1] =	wrdreg $0xFFFFFFFF  }
0xa8: {  	s28 =	simm.s32 $_size_execute0_lowered;
	s4 =	sadd.s32 s4, s6;
	[dreg:$0x0] =	wrdreg $0x0  }
0xa9: {  	s6 =	sshll.u32 s28, $0x1;
	[dreg:$0x2] =	wrdreg s4  }
0xaa: {  	[dreg:$0x3] =	wrdreg s6  }
0xab: {  	[dreg:$0x4] =	wrdreg $0xC0  }
0xac: {  	_ =	task [dreg:s8], $0x5FFFF  }
0xad: {  	[dreg:$0x1] =	wrdreg $0xFFFFFFFF  }
0xae: {  	[dreg:$0x0] =	wrdreg $0x60  }
0xaf: {  	[dreg:$0x2] =	wrdreg s2  }
0xb0: {  	[dreg:$0x3] =	wrdreg s24  }
0xb1: {  	[dreg:$0x4] =	wrdreg s18  }
0xb2: {  	[dreg:$0x5] =	wrdreg $0xA8000  }
0xb3: {  	[dreg:$0x6] =	wrdreg $0x9  }
0xb4: {  	_ =	task.clear_ibuf [dreg:s8], $0x7FFFF;
	_ =	strace $0x90000046  }
0xb5: {  	s29 =	simm.s32 $0x9;
	_ =	strace $0x80000048  }
0xb6: {  	_ =	swait.ge [sflag:s29], $0x1  }
0xb7: {  	[sflag:s29] =	ssyncadd.s32 $0xFFFFFFFF  }
0xb8: {  	_ =	strace $0x90000048  }
0xb9: {  	_ =	sfence  }
0xba: {  	s30 =	sld [smem:$0x0];
	_ =	sdelay $0x2  }
0xbb: {  	s31 =	sshll.u32 s1, $0xD;
	s1 =	sshrl.u32 s1, $0x2  }
0xbc: {  	s3 =	sand.u32 $0x4000, s31;
	s1 =	sadd.s32 s1, s30  }
0xbd: {  	s0 =	sor.u32 s3, s0;
	s1 =	sshll.u32 s1, $0x11  }
0xbe: {  	s0 =	sor.u32 s1, s0  }
0xbf: {  	s0 =	sadd.s32 $0x8F2B, s0  }
0xc0: {  	[sflag:s0] =	ssyncadd.remote.s32 $0x1  }
0xc1: {  	_ =	sfence.sel $0xFFFF  }
0xc2: {  	[dreg:$0x0] =	wrdreg $0xFFFFFFFF;
	(pc) =	sbr.abs _section_cstart, $3  }
0xc3: {  	[dreg:$0x1] =	wrdreg $0xFFFFFFFF  }
0xc4: {  	_ =	task.clear_ibuf [dreg:s8], $0x2FFFF;
	_ =	strace $0x9FFFFFFF  }
0xc5: {  	(tm) =	ssettm $0x7FFFFFFF  }
tec
execute0_lowered:
.L_overlay_start_1:
0x0: {  	(tag) =	ssettag $0x1  }
0x1: {  	s1 =	rddreg [dreg:$0x0]  }
0x2: {  	s6 =	rddreg [dreg:$0x1]  }
0x3: {  	s3 =	rddreg [dreg:$0x2]  }
0x4: {  	s4 =	rddreg [dreg:$0x3]  }
0x5: {  	s0 =	rddreg [dreg:$0x4]  }
0x6: {  	s2 =	stileid.u32;
	s7 =	srdreg.scid  }
0x7: {  	s5 =	simm.s32 $0x0;
	s15 =	simm.s32 $0x4000;
	s16 =	simm.s32 $0x8000  }
0x8: {  	s17 =	simm.s32 $0x50;
	s18 =	simm.s32 $0x1;
	s19 =	simm.s32 $0x0  }
0x9: {  	s8 =	smul.u32 $0x13C00, s2;
	s7 =	sand.u32 $0x1, s7;
	[smem:$0x7FF] =	sst s5  }
0xa: {  	s9 =	sshll.u32 s2, $0xC;
	s12 =	smul.u32 $0x4F000, s2;
	s29 =	sshll.u32 s2, $0x6  }
0xb: {  	s10 =	smul.u32 $0x13C000, s7;
	_ =	strace $0x80000047;
	s9 =	sadd.s32 s9, s6  }
0xc: {  	s26 =	ssub.s32 $0x2, s7;
	s30 =	sshll.u32 s7, $0x10;
	s7 =	sor.u32 $0x1C02, s29  }
0xd: {  	s11 =	sshrl.u32 s8, $0x3;
	s13 =	sshrl.u32 s26, $0x1;
	s28 =	sshrl.u32 s12, $0x2  }
0xe: {  	s31 =	sadd.s32 s30, s9;
	s8 =	sadd.s32 s8, s10;
	s11 =	sadd.s32 s11, s6  }
0xf: {  	s13 =	ssub.s32 s26, s13;
	s12 =	sadd.s32 s28, s4;
	s8 =	sshrl.u32 s8, $0x3  }
0x10: {  	s12 =	sshrl.u32 s12, $0x3;
	s14 =	sadd.s32 s8, s6;
	s6 =	sadd.s32 $0x22000, s11  }
0x11: {  	s8 =	sadd.s32 $0x2000, s31;
	s11 =	smax.u32 s13, $0x1;
	s13 =	simm.s32 $0x2  }
0x12: {  	s9 =	sadd.s32 $0x98800, s14;
	s10 =	sadd.s32 $0x49800, s14;
	s14 =	sadd.s32 $0x800, s8  }
.LBB2_1:
0x13: {  	[spmem:s12], [sflag:s7] =	dma.local [hbm:s6], $0x2780  }
0x14: {  	_ =	swait.ge [sflag:s13], $0x2780  }
0x15: {  	[sflag:s13] =	ssyncset.done $0x0  }
0x16: {  	[sflag:s13] =	ssyncadd.s32 $0xFFFFD880  }
0x17: {  	[tilespmem:s5], [sflag:$0x2] =	stream.linear.gather [hbm4b:s8+s5], $0x3E80, $0x38;
	[tilespmem:$0x1E400] =	vst v63  }
0x18: {  	_ = 	snop  }
0x19: {  	[tilespmem:s15], [sflag:$0x2] =	stream.linear.gather [hbm4b:s14+s5], $0x3E80, $0x38;
	[tilespmem:$0x1E400] =	vst v63  }
0x1a: {  	_ =	swait.ge [sflag:s13], $0x7D00  }
0x1b: {  	[sflag:s13] =	ssyncset.done $0x0  }
0x1c: {  	[sflag:s13] =	ssyncadd.s32 $0xFFFF8300  }
0x1d: {  	[tilespmem:s16], [sflag:$0x2] =	stream.linear.gather [hbm4b:s3+s5], $0x2800, $0x38;
	[tilespmem:$0x1E400] =	vst v63  }
0x1e: {  	_ =	swait.ge [sflag:s13], $0x2800  }
0x1f: {  	[sflag:s13] =	ssyncset.done $0x0  }
0x20: {  	[sflag:s13] =	ssyncadd.s32 $0xFFFFD800  }
0x21: {  	s20 =	simm.s32 $0x4000;
	[bflag:$0x0] =	sbarrier.arrive $0xFFFF  }
0x22: {  	[spmem:s4] =	stream.indirect.scatter.add.f32 [tilespmem:s16], [sflag:$0x2], $0x80, s20, s17, $0xb8;
	[tilespmem:$0x1E400] =	vst v63  }
0x23: {  	s20 =	simm.s32 $0x200;
	_ =	swait.ge [sflag:s13], $0x2800  }
.LBB2_2:
0x24: {  	s21 =	sshra.s32 s20, $0x2;
	[sflag:s13] =	ssyncset.done $0x0;
	p0 =	sne.s32 s20, $0xF800  }
.Ltmp0:
0x25: {  	s21 =	sadd.s32 $0x4000, s21;
	[sflag:s13] =	ssyncadd.s32 $0xFFFFD800;
	(pc) =	sbr.rel @p0 .LBB2_2-.Ltmp0, $3  }
0x26: {  	[spmem:s4] =	stream.indirect.scatter.add.f32 [tilespmem:s16], [sflag:$0x2], $0x80, s21, s17, $0xb8;
	[tilespmem:$0x1E400] =	vst v63  }
0x27: {  	s20 =	sadd.s32 $0x200, s20;
	_ =	sdelay $0x1  }
0x28: {  	_ =	swait.ge [sflag:s13], $0x2800  }
0x29: {  	[sflag:s13] =	ssyncset.done $0x0  }
0x2a: {  	[sflag:s13] =	ssyncadd.s32 $0xFFFFD800  }
0x2b: {  	[bflag:$0x0] =	sbarrier.arrive $0xFFFF  }
0x2c: {  	[hbm:s9], [sflag:s7] =	dma.local [spmem:s12], $0x2780  }
0x2d: {  	_ =	swait.ge [sflag:s13], $0x2780  }
0x2e: {  	[sflag:s13] =	ssyncset.done $0x0  }
0x2f: {  	[sflag:s13] =	ssyncadd.s32 $0xFFFFD880  }
0x30: {  	[spmem:s12], [sflag:s7] =	dma.local [hbm:s6], $0x2780  }
0x31: {  	_ =	swait.ge [sflag:s13], $0x2780  }
0x32: {  	[sflag:s13] =	ssyncset.done $0x0  }
0x33: {  	[sflag:s13] =	ssyncadd.s32 $0xFFFFD880  }
0x34: {  	s20 =	simm.s32 $0x0;
	[bflag:$0x0] =	sbarrier.arrive $0xFFFF  }
0x35: {  	[tilespmem:s16], [sflag:$0x1] =	stream.indirect.gather [hbm4b:s1+s17], $0x80, s20, s17, $0xb8;
	[tilespmem:$0x1E400] =	vst v63  }
0x36: {  	_ =	swait.ge [sflag:s18], $0x2800  }
0x37: {  	[sflag:s18] =	ssyncset.done $0x0  }
0x38: {  	s31 =	simm.s32 $0x4000;
	[sflag:s18] =	ssyncadd.s32 $0xFFFFD800  }
0x39: {  	[spmem:s4] =	stream.indirect.scatter.add.f32 [tilespmem:s16], [sflag:$0x2], $0x80, s31, s17, $0xb8;
	[tilespmem:$0x1E400] =	vst v63  }
0x3a: {  	_ =	swait.ge [sflag:s13], $0x2800  }
0x3b: {  	s21 =	simm.s32 $0x400;
	s20 =	simm.s32 $0x200;
	[sflag:s13] =	ssyncset.done $0x0  }
.LBB2_4:
0x3c: {  	s22 =	sshra.s32 s20, $0x2  }
0x3d: {  	[sflag:s13] =	ssyncadd.s32 $0xFFFFD800;
	s20 =	smov.u32 s21;
	s23 =	sadd.s32 $0x200, s21  }
0x3e: {  	[tilespmem:s16], [sflag:$0x1] =	stream.indirect.gather [hbm4b:s1+s17], $0x80, s22, s17, $0xb8;
	[tilespmem:$0x1E400] =	vst v63  }
0x3f: {  	p0 =	sne.s32 s21, $0xF800;
	_ =	swait.ge [sflag:s18], $0x2800  }
.Ltmp1:
0x40: {  	[sflag:s18] =	ssyncset.done $0x0;
	(pc) =	sbr.rel @p0 .LBB2_4-.Ltmp1, $4  }
0x41: {  	s21 =	sadd.s32 $0x4000, s22;
	[sflag:s18] =	ssyncadd.s32 $0xFFFFD800  }
0x42: {  	[spmem:s4] =	stream.indirect.scatter.add.f32 [tilespmem:s16], [sflag:$0x2], $0x80, s21, s17, $0xb8;
	[tilespmem:$0x1E400] =	vst v63  }
0x43: {  	_ =	swait.ge [sflag:s13], $0x2800  }
0x44: {  	s21 =	smov.u32 s23;
	[sflag:s13] =	ssyncset.done $0x0  }
0x45: {  	s20 =	sshra.s32 s20, $0x2;
	[sflag:s13] =	ssyncadd.s32 $0xFFFFD800  }
0x46: {  	[tilespmem:s16], [sflag:$0x1] =	stream.indirect.gather [hbm4b:s1+s17], $0x80, s20, s17, $0xb8;
	[tilespmem:$0x1E400] =	vst v63  }
0x47: {  	_ =	swait.ge [sflag:s18], $0x2800  }
0x48: {  	[sflag:s18] =	ssyncset.done $0x0  }
0x49: {  	s20 =	sadd.s32 $0x4000, s20;
	[sflag:s18] =	ssyncadd.s32 $0xFFFFD800  }
0x4a: {  	[spmem:s4] =	stream.indirect.scatter.add.f32 [tilespmem:s16], [sflag:$0x2], $0x80, s20, s17, $0xb8;
	[tilespmem:$0x1E400] =	vst v63  }
0x4b: {  	_ =	swait.ge [sflag:s13], $0x2800  }
0x4c: {  	s19 =	sadd.s32 $0x1, s19;
	[sflag:s13] =	ssyncset.done $0x0  }
0x4d: {  	p0 =	sne.s32 s19, s11;
	[sflag:s13] =	ssyncadd.s32 $0xFFFFD800  }
.Ltmp2:
0x4e: {  	[bflag:$0x0] =	sbarrier.arrive $0xFFFF;
	(pc) =	sbr.rel @p0 .LBB2_1-.Ltmp2, $4  }
0x4f: {  	[hbm:s10], [sflag:s7] =	dma.local [spmem:s12], $0x2780  }
0x50: {  	_ =	swait.ge [sflag:s13], $0x2780  }
0x51: {  	[sflag:s13] =	ssyncset.done $0x0  }
0x52: {  	[sflag:s13] =	ssyncadd.s32 $0xFFFFD880  }
0x53: {  	_ =	sfence.sel $0x180000  }
0x54: {  	[bflag:$0x0] =	sbarrier.arrive $0xFFFF  }
0x55: {  	p0 =	sne.s32 s2, $0x0;
	_ =	strace $0x90000047  }
0x56: {  	s0 =	sadd.s32 @!p0 $0x100000, s0;
	[bflag:$0x2] =	sbarrier.arrive $0xFFFF  }
0x57: {  	[sflag:s0] =	ssyncadd.tile.s32 @!p0 $0x1;
	_ =	shalt  }
.Lfunc_end2:
_tile_overlayer_lowered:
.L_overlay_start_2:
0x58: {  	(tag) =	ssettag $0x2  }
0x59: {  	s0 =	rddreg [dreg:$0x0];
	s2 =	stileid.u32  }
0x5a: {  	s1 =	rddreg [dreg:$0x1];
	p0 =	sne.s32 s2, $0x0  }
0x5b: {  	s3 =	rddreg [dreg:$0x2];
	[bflag:$0x3] =	sbarrier.arrive $0xFFFF;
	s2 =	simm.s32 @!p0 $0x1C02  }
0x5c: {  	[timem:s3], [sflag:s2] =	dma.local @!p0 [hbm:s0], s1  }
0x5d: {  	s0 =	simm.s32 @!p0 $0x2  }
0x5e: {  	_ =	swait.ge @!p0 [sflag:s0], s1  }
0x5f: {  	s1 =	ssub.s32 @!p0 $0x0, s1;
	[sflag:s0] =	ssyncset.done @!p0 $0x0  }
0x60: {  	[sflag:s0] =	ssyncadd.s32 @!p0 s1  }
0x61: {  	[bflag:$0x3] =	sbarrier.arrive $0xFFFF  }
0x62: {  	_ =	shalt  }

</sc_bundles>
